<compile_context>
chip_gen: v7x
topology: tpu7x:2x2x1
jax: 0.10.2.dev20260603
libtpu: 0.0.44.dev20260713+nightly
codegen_flags: <defaults>
</compile_context>

<pallas_src>
import functools

import jax
import jax.numpy as jnp
from jax import lax
from jax.experimental import pallas as pl
from jax.experimental.pallas import tpu as pltpu
from jax.experimental.pallas import tpu_sc as plsc

B = 16384
D = 64
NC = 2
NS = 16
L = 16
NW = NC * NS
BPW = B // NW
IDX_CHUNK = 128
NCHUNK = BPW // IDX_CHUNK


def _mf_body(uid_hbm, iid_hbm, utab_hbm, itab_hbm, ub_hbm, ib_hbm, gb_hbm,
             out_hbm, uid_v, iid_v, urows_v, irows_v, ub_v, ib_v, gb_v,
             out_v, sem):
  wid = lax.axis_index("s") * NC + lax.axis_index("c")
  row0 = wid * NCHUNK

  pltpu.sync_copy(uid_hbm.at[pl.ds(row0, NCHUNK)], uid_v)
  pltpu.sync_copy(iid_hbm.at[pl.ds(row0, NCHUNK)], iid_v)
  pltpu.sync_copy(gb_hbm, gb_v)

  copies = []
  for j in range(NCHUNK):
    sl = pl.ds(j * IDX_CHUNK, IDX_CHUNK)
    copies.append(pltpu.async_copy(
        utab_hbm.at[uid_v.at[j]], urows_v.at[sl], sem))
    copies.append(pltpu.async_copy(
        itab_hbm.at[iid_v.at[j]], irows_v.at[sl], sem))
    copies.append(pltpu.async_copy(
        ub_hbm.at[uid_v.at[j]], ub_v.at[sl], sem))
    copies.append(pltpu.async_copy(
        ib_hbm.at[iid_v.at[j]], ib_v.at[sl], sem))
  for cp in copies:
    cp.wait()

  gb = gb_v[...]
  lane = lax.iota(jnp.int32, L)

  def chunk_body(c, carry):
    rows = lane + c * L
    acc = gb + ub_v[pl.ds(c * L, L)] + ib_v[pl.ds(c * L, L)]
    for d in range(D):
      cols = jnp.full((L,), d, jnp.int32)
      u = plsc.load_gather(urows_v, [rows, cols])
      v = plsc.load_gather(irows_v, [rows, cols])
      acc = acc + u * v
    out_v[pl.ds(c * L, L)] = acc
    return carry

  lax.fori_loop(0, BPW // L, chunk_body, 0)
  pltpu.sync_copy(out_v, out_hbm.at[pl.ds(wid * BPW, BPW)])


@jax.jit
def _mf(uid2d, iid2d, utab, itab, ub1d, ib1d, gb16):
  mesh = plsc.VectorSubcoreMesh(core_axis_name="c", subcore_axis_name="s")
  return pl.kernel(
      _mf_body,
      out_type=jax.ShapeDtypeStruct((B,), jnp.float32),
      mesh=mesh,
      scratch_types=[
          pltpu.VMEM((NCHUNK, IDX_CHUNK), jnp.int32),
          pltpu.VMEM((NCHUNK, IDX_CHUNK), jnp.int32),
          pltpu.VMEM((BPW, D), jnp.float32),
          pltpu.VMEM((BPW, D), jnp.float32),
          pltpu.VMEM((BPW,), jnp.float32),
          pltpu.VMEM((BPW,), jnp.float32),
          pltpu.VMEM((L,), jnp.float32),
          pltpu.VMEM((BPW,), jnp.float32),
          pltpu.SemaphoreType.DMA,
      ],
      compiler_params=pltpu.CompilerParams(
          needs_layout_passes=False, use_tc_tiling_on_sc=False),
  )(uid2d, iid2d, utab, itab, ub1d, ib1d, gb16)


def kernel(user_ids, item_ids, user_emb_table, item_emb_table,
           user_bias_table, item_bias_table, global_bias):
  uid2d = user_ids.astype(jnp.int32).reshape(B // IDX_CHUNK, IDX_CHUNK)
  iid2d = item_ids.astype(jnp.int32).reshape(B // IDX_CHUNK, IDX_CHUNK)
  ub1d = user_bias_table.reshape(-1)
  ib1d = item_bias_table.reshape(-1)
  gb16 = jnp.broadcast_to(global_bias.astype(jnp.float32), (L,))
  return _mf(uid2d, iid2d, user_emb_table, item_emb_table, ub1d, ib1d, gb16)

# --- scband reference (transcript-rebuilt; emitter-appended) ---
"""Pipeline reference for scband-matrix-factorization-69750268887209 (READ-ONLY COPY).

The authoritative reference and input builder live on the scoring server;
editing this copy changes nothing except your own understanding.
"""

import jax, jax.numpy as jnp
import numpy as np

N_USERS = 1000000
N_ITEMS = 1000000
EMBED_DIM = 64
BATCH = 16384


def setup_inputs(seed: int = 0) -> dict:
    key = jax.random.key(seed)
    k1, k2, k3, k4 = jax.random.split(key, 4)
    user_ids = jax.random.randint(k1, (BATCH,), 0, N_USERS, dtype=jnp.int64) if jax.config.jax_enable_x64 else jax.random.randint(k1, (BATCH,), 0, N_USERS, dtype=jnp.int32)
    item_ids = jax.random.randint(k2, (BATCH,), 0, N_ITEMS, dtype=user_ids.dtype)
    user_emb_table = jax.random.normal(k3, (N_USERS, EMBED_DIM), dtype=jnp.float32) * 0.01
    item_emb_table = jax.random.normal(k4, (N_ITEMS, EMBED_DIM), dtype=jnp.float32) * 0.01
    user_bias_table = jnp.zeros((N_USERS, 1), dtype=jnp.float32)
    item_bias_table = jnp.zeros((N_ITEMS, 1), dtype=jnp.float32)
    global_bias = jnp.zeros((1,), dtype=jnp.float32)
    return {
        "user_ids": user_ids,
        "item_ids": item_ids,
        "user_emb_table": user_emb_table,
        "item_emb_table": item_emb_table,
        "user_bias_table": user_bias_table,
        "item_bias_table": item_bias_table,
        "global_bias": global_bias,
    }


def reference(user_ids, item_ids, user_emb_table, item_emb_table, user_bias_table, item_bias_table, global_bias):
    # Embedding gathers (SparseCore-friendly)
    user_emb = jnp.take(user_emb_table, user_ids, axis=0)  # [B, D]
    item_emb = jnp.take(item_emb_table, item_ids, axis=0)  # [B, D]
    # dropout p=0.0 -> identity
    dot_product = jnp.sum(user_emb * item_emb, axis=1)  # [B]
    user_b = jnp.take(user_bias_table, user_ids, axis=0).squeeze(-1)  # [B]
    item_b = jnp.take(item_bias_table, item_ids, axis=0).squeeze(-1)  # [B]
    prediction = dot_product + user_b + item_b + global_bias  # broadcast [1] -> [B]
    return prediction

if __name__ == "__main__":
    import jax
    _d = setup_inputs()
    print(jax.jit(kernel)(*tuple(_d.values())))

</pallas_src>

<mosaic_0001>
#map = affine_map<(d0, d1) -> (0, 0)>
#map1 = affine_map<(d0, d1) -> (0)>
module attributes {stable_mosaic.version = 14 : i64} {
  func.func @_mf_body(%arg0: i32, %arg1: i32, %arg2: memref<128x128xi32, #tpu.memory_space<hbm>>, %arg3: memref<128x128xi32, #tpu.memory_space<hbm>>, %arg4: memref<1000000x64xf32, #tpu.memory_space<hbm>>, %arg5: memref<1000000x64xf32, #tpu.memory_space<hbm>>, %arg6: memref<1000000xf32, #tpu.memory_space<hbm>>, %arg7: memref<1000000xf32, #tpu.memory_space<hbm>>, %arg8: memref<16xf32, #tpu.memory_space<hbm>>, %arg9: memref<16384xf32, #tpu.memory_space<hbm>>, %arg10: memref<4x128xi32, #tpu.memory_space<vmem>>, %arg11: memref<4x128xi32, #tpu.memory_space<vmem>>, %arg12: memref<512x64xf32, #tpu.memory_space<vmem>>, %arg13: memref<512x64xf32, #tpu.memory_space<vmem>>, %arg14: memref<512xf32, #tpu.memory_space<vmem>>, %arg15: memref<512xf32, #tpu.memory_space<vmem>>, %arg16: memref<16xf32, #tpu.memory_space<vmem>>, %arg17: memref<512xf32, #tpu.memory_space<vmem>>, %arg18: memref<!tpu.dma_semaphore, #tpu.memory_space<semaphore_mem>>) attributes {dimension_semantics = [#tpu.dimension_semantics<core_parallel>, #tpu.dimension_semantics<subcore_parallel>], iteration_bounds = array<i64: 2, 16>, scalar_prefetch = 0 : i64, scratch_operands = 9 : i64, tpu.core_type = #tpu.core_type<sc_vector_subcore>, window_params = [{transform_indices = #map}, {transform_indices = #map}, {transform_indices = #map}, {transform_indices = #map}, {transform_indices = #map1}, {transform_indices = #map1}, {transform_indices = #map1}, {transform_indices = #map1}]} {
    %mul3A = arith.constant 2 : i32
    %mul3A_0 = arith.muli %arg1, %mul3A : i32
    %add3A = arith.addi %mul3A_0, %arg0 : i32
    %mul3A_1 = arith.constant 4 : i32
    %mul3A_2 = arith.muli %add3A, %mul3A_1 : i32
    "tpu.region"() ({
      %run_scoped3A = tpu.sem_alloc : memref<!tpu.dma_semaphore, #tpu.memory_space<semaphore_mem>>
      %dma_start3A_297 = arith.constant 0 : i32
      %dma_start3A_298 = tpu.memref_slice %arg2[%mul3A_2, %dma_start3A_297] : memref<128x128xi32, #tpu.memory_space<hbm>> -> memref<4x128xi32, #tpu.memory_space<hbm>>
      %dma_start3A_299 = arith.constant 0 : i32
      %dma_start3A_300 = tpu.memref_slice %arg2[%mul3A_2, %dma_start3A_299] : memref<128x128xi32, #tpu.memory_space<hbm>> -> memref<4x128xi32, #tpu.memory_space<hbm>>
      tpu.enqueue_dma source(%dma_start3A_300 : memref<4x128xi32, #tpu.memory_space<hbm>>) target(%arg10 : memref<4x128xi32, #tpu.memory_space<vmem>>) target_semaphore(%run_scoped3A : memref<!tpu.dma_semaphore, #tpu.memory_space<semaphore_mem>>)
      %dma_wait3A_301 = arith.constant 0 : i32
      %dma_wait3A_302 = tpu.memref_slice %arg2[%mul3A_2, %dma_wait3A_301] : memref<128x128xi32, #tpu.memory_space<hbm>> -> memref<4x128xi32, #tpu.memory_space<hbm>>
      %dma_wait3A_303 = arith.constant 0 : i32
      %dma_wait3A_304 = tpu.memref_slice %arg2[%mul3A_2, %dma_wait3A_303] : memref<128x128xi32, #tpu.memory_space<hbm>> -> memref<4x128xi32, #tpu.memory_space<hbm>>
      tpu.wait_dma2 semaphore(%run_scoped3A : memref<!tpu.dma_semaphore, #tpu.memory_space<semaphore_mem>>) src(%dma_wait3A_304 : memref<4x128xi32, #tpu.memory_space<hbm>>) dst(%arg10 : memref<4x128xi32, #tpu.memory_space<vmem>>)
      tpu.yield
    }) : () -> ()
    "tpu.region"() ({
      %run_scoped3A = tpu.sem_alloc : memref<!tpu.dma_semaphore, #tpu.memory_space<semaphore_mem>>
      %dma_start3A_297 = arith.constant 0 : i32
      %dma_start3A_298 = tpu.memref_slice %arg3[%mul3A_2, %dma_start3A_297] : memref<128x128xi32, #tpu.memory_space<hbm>> -> memref<4x128xi32, #tpu.memory_space<hbm>>
      %dma_start3A_299 = arith.constant 0 : i32
      %dma_start3A_300 = tpu.memref_slice %arg3[%mul3A_2, %dma_start3A_299] : memref<128x128xi32, #tpu.memory_space<hbm>> -> memref<4x128xi32, #tpu.memory_space<hbm>>
      tpu.enqueue_dma source(%dma_start3A_300 : memref<4x128xi32, #tpu.memory_space<hbm>>) target(%arg11 : memref<4x128xi32, #tpu.memory_space<vmem>>) target_semaphore(%run_scoped3A : memref<!tpu.dma_semaphore, #tpu.memory_space<semaphore_mem>>)
      %dma_wait3A_301 = arith.constant 0 : i32
      %dma_wait3A_302 = tpu.memref_slice %arg3[%mul3A_2, %dma_wait3A_301] : memref<128x128xi32, #tpu.memory_space<hbm>> -> memref<4x128xi32, #tpu.memory_space<hbm>>
      %dma_wait3A_303 = arith.constant 0 : i32
      %dma_wait3A_304 = tpu.memref_slice %arg3[%mul3A_2, %dma_wait3A_303] : memref<128x128xi32, #tpu.memory_space<hbm>> -> memref<4x128xi32, #tpu.memory_space<hbm>>
      tpu.wait_dma2 semaphore(%run_scoped3A : memref<!tpu.dma_semaphore, #tpu.memory_space<semaphore_mem>>) src(%dma_wait3A_304 : memref<4x128xi32, #tpu.memory_space<hbm>>) dst(%arg11 : memref<4x128xi32, #tpu.memory_space<vmem>>)
      tpu.yield
    }) : () -> ()
    "tpu.region"() ({
      %run_scoped3A = tpu.sem_alloc : memref<!tpu.dma_semaphore, #tpu.memory_space<semaphore_mem>>
      tpu.enqueue_dma source(%arg8 : memref<16xf32, #tpu.memory_space<hbm>>) target(%arg16 : memref<16xf32, #tpu.memory_space<vmem>>) target_semaphore(%run_scoped3A : memref<!tpu.dma_semaphore, #tpu.memory_space<semaphore_mem>>)
      tpu.wait_dma2 semaphore(%run_scoped3A : memref<!tpu.dma_semaphore, #tpu.memory_space<semaphore_mem>>) src(%arg8 : memref<16xf32, #tpu.memory_space<hbm>>) dst(%arg16 : memref<16xf32, #tpu.memory_space<vmem>>)
      tpu.yield
    }) : () -> ()
    %dma_start3A = arith.constant 0 : i32
    %dma_start3A_3 = arith.constant 0 : i32
    %dma_start3A_4 = arith.constant 0 : i32
    %dma_start3A_5 = tpu.memref_slice %arg12[%dma_start3A_3, %dma_start3A_4] : memref<512x64xf32, #tpu.memory_space<vmem>> -> memref<128x64xf32, #tpu.memory_space<vmem>>
    %dma_start3A_6 = arith.constant 0 : i32
    %dma_start3A_7 = tpu.memref_slice %arg10[%dma_start3A, %dma_start3A_6] : memref<4x128xi32, #tpu.memory_space<vmem>> -> memref<1x128xi32, #tpu.memory_space<vmem>>
    %dma_start3A_8 = tpu.memref_squeeze %dma_start3A_7 : memref<1x128xi32, #tpu.memory_space<vmem>> -> memref<128xi32, #tpu.memory_space<vmem>>
    %dma_start3A_9 = arith.constant 0 : i32
    %dma_start3A_10 = arith.constant 0 : i32
    %dma_start3A_11 = tpu.memref_slice %arg4[%dma_start3A_9, %dma_start3A_10] : memref<1000000x64xf32, #tpu.memory_space<hbm>> -> memref<1000000x64xf32, #tpu.memory_space<hbm>>
    tpu.enqueue_indirect_dma source(%dma_start3A_11 : memref<1000000x64xf32, #tpu.memory_space<hbm>>) target(%dma_start3A_5 : memref<128x64xf32, #tpu.memory_space<vmem>>) offsets(%dma_start3A_8 : memref<128xi32, #tpu.memory_space<vmem>>) semaphore(%arg18 : memref<!tpu.dma_semaphore, #tpu.memory_space<semaphore_mem>>)
    %dma_start3A_12 = arith.constant 0 : i32
    %dma_start3A_13 = arith.constant 0 : i32
    %dma_start3A_14 = arith.constant 0 : i32
    %dma_start3A_15 = tpu.memref_slice %arg13[%dma_start3A_13, %dma_start3A_14] : memref<512x64xf32, #tpu.memory_space<vmem>> -> memref<128x64xf32, #tpu.memory_space<vmem>>
    %dma_start3A_16 = arith.constant 0 : i32
    %dma_start3A_17 = tpu.memref_slice %arg11[%dma_start3A_12, %dma_start3A_16] : memref<4x128xi32, #tpu.memory_space<vmem>> -> memref<1x128xi32, #tpu.memory_space<vmem>>
    %dma_start3A_18 = tpu.memref_squeeze %dma_start3A_17 : memref<1x128xi32, #tpu.memory_space<vmem>> -> memref<128xi32, #tpu.memory_space<vmem>>
    %dma_start3A_19 = arith.constant 0 : i32
    %dma_start3A_20 = arith.constant 0 : i32
    %dma_start3A_21 = tpu.memref_slice %arg5[%dma_start3A_19, %dma_start3A_20] : memref<1000000x64xf32, #tpu.memory_space<hbm>> -> memref<1000000x64xf32, #tpu.memory_space<hbm>>
    tpu.enqueue_indirect_dma source(%dma_start3A_21 : memref<1000000x64xf32, #tpu.memory_space<hbm>>) target(%dma_start3A_15 : memref<128x64xf32, #tpu.memory_space<vmem>>) offsets(%dma_start3A_18 : memref<128xi32, #tpu.memory_space<vmem>>) semaphore(%arg18 : memref<!tpu.dma_semaphore, #tpu.memory_space<semaphore_mem>>)
    %dma_start3A_22 = arith.constant 0 : i32
    %dma_start3A_23 = arith.constant 0 : i32
    %dma_start3A_24 = tpu.memref_slice %arg14[%dma_start3A_23] : memref<512xf32, #tpu.memory_space<vmem>> -> memref<128xf32, #tpu.memory_space<vmem>>
    %dma_start3A_25 = arith.constant 0 : i32
    %dma_start3A_26 = tpu.memref_slice %arg10[%dma_start3A_22, %dma_start3A_25] : memref<4x128xi32, #tpu.memory_space<vmem>> -> memref<1x128xi32, #tpu.memory_space<vmem>>
    %dma_start3A_27 = tpu.memref_squeeze %dma_start3A_26 : memref<1x128xi32, #tpu.memory_space<vmem>> -> memref<128xi32, #tpu.memory_space<vmem>>
    %dma_start3A_28 = arith.constant 0 : i32
    %dma_start3A_29 = tpu.memref_slice %arg6[%dma_start3A_28] : memref<1000000xf32, #tpu.memory_space<hbm>> -> memref<1000000xf32, #tpu.memory_space<hbm>>
    tpu.enqueue_indirect_dma source(%dma_start3A_29 : memref<1000000xf32, #tpu.memory_space<hbm>>) target(%dma_start3A_24 : memref<128xf32, #tpu.memory_space<vmem>>) offsets(%dma_start3A_27 : memref<128xi32, #tpu.memory_space<vmem>>) semaphore(%arg18 : memref<!tpu.dma_semaphore, #tpu.memory_space<semaphore_mem>>)
    %dma_start3A_30 = arith.constant 0 : i32
    %dma_start3A_31 = arith.constant 0 : i32
    %dma_start3A_32 = tpu.memref_slice %arg15[%dma_start3A_31] : memref<512xf32, #tpu.memory_space<vmem>> -> memref<128xf32, #tpu.memory_space<vmem>>
    %dma_start3A_33 = arith.constant 0 : i32
    %dma_start3A_34 = tpu.memref_slice %arg11[%dma_start3A_30, %dma_start3A_33] : memref<4x128xi32, #tpu.memory_space<vmem>> -> memref<1x128xi32, #tpu.memory_space<vmem>>
    %dma_start3A_35 = tpu.memref_squeeze %dma_start3A_34 : memref<1x128xi32, #tpu.memory_space<vmem>> -> memref<128xi32, #tpu.memory_space<vmem>>
    %dma_start3A_36 = arith.constant 0 : i32
    %dma_start3A_37 = tpu.memref_slice %arg7[%dma_start3A_36] : memref<1000000xf32, #tpu.memory_space<hbm>> -> memref<1000000xf32, #tpu.memory_space<hbm>>
    tpu.enqueue_indirect_dma source(%dma_start3A_37 : memref<1000000xf32, #tpu.memory_space<hbm>>) target(%dma_start3A_32 : memref<128xf32, #tpu.memory_space<vmem>>) offsets(%dma_start3A_35 : memref<128xi32, #tpu.memory_space<vmem>>) semaphore(%arg18 : memref<!tpu.dma_semaphore, #tpu.memory_space<semaphore_mem>>)
    %dma_start3A_38 = arith.constant 1 : i32
    %dma_start3A_39 = arith.constant 128 : i32
    %dma_start3A_40 = arith.constant 0 : i32
    %dma_start3A_41 = tpu.memref_slice %arg12[%dma_start3A_39, %dma_start3A_40] : memref<512x64xf32, #tpu.memory_space<vmem>> -> memref<128x64xf32, #tpu.memory_space<vmem>>
    %dma_start3A_42 = arith.constant 0 : i32
    %dma_start3A_43 = tpu.memref_slice %arg10[%dma_start3A_38, %dma_start3A_42] : memref<4x128xi32, #tpu.memory_space<vmem>> -> memref<1x128xi32, #tpu.memory_space<vmem>>
    %dma_start3A_44 = tpu.memref_squeeze %dma_start3A_43 : memref<1x128xi32, #tpu.memory_space<vmem>> -> memref<128xi32, #tpu.memory_space<vmem>>
    %dma_start3A_45 = arith.constant 0 : i32
    %dma_start3A_46 = arith.constant 0 : i32
    %dma_start3A_47 = tpu.memref_slice %arg4[%dma_start3A_45, %dma_start3A_46] : memref<1000000x64xf32, #tpu.memory_space<hbm>> -> memref<1000000x64xf32, #tpu.memory_space<hbm>>
    tpu.enqueue_indirect_dma source(%dma_start3A_47 : memref<1000000x64xf32, #tpu.memory_space<hbm>>) target(%dma_start3A_41 : memref<128x64xf32, #tpu.memory_space<vmem>>) offsets(%dma_start3A_44 : memref<128xi32, #tpu.memory_space<vmem>>) semaphore(%arg18 : memref<!tpu.dma_semaphore, #tpu.memory_space<semaphore_mem>>)
    %dma_start3A_48 = arith.constant 1 : i32
    %dma_start3A_49 = arith.constant 128 : i32
    %dma_start3A_50 = arith.constant 0 : i32
    %dma_start3A_51 = tpu.memref_slice %arg13[%dma_start3A_49, %dma_start3A_50] : memref<512x64xf32, #tpu.memory_space<vmem>> -> memref<128x64xf32, #tpu.memory_space<vmem>>
    %dma_start3A_52 = arith.constant 0 : i32
    %dma_start3A_53 = tpu.memref_slice %arg11[%dma_start3A_48, %dma_start3A_52] : memref<4x128xi32, #tpu.memory_space<vmem>> -> memref<1x128xi32, #tpu.memory_space<vmem>>
    %dma_start3A_54 = tpu.memref_squeeze %dma_start3A_53 : memref<1x128xi32, #tpu.memory_space<vmem>> -> memref<128xi32, #tpu.memory_space<vmem>>
    %dma_start3A_55 = arith.constant 0 : i32
    %dma_start3A_56 = arith.constant 0 : i32
    %dma_start3A_57 = tpu.memref_slice %arg5[%dma_start3A_55, %dma_start3A_56] : memref<1000000x64xf32, #tpu.memory_space<hbm>> -> memref<1000000x64xf32, #tpu.memory_space<hbm>>
    tpu.enqueue_indirect_dma source(%dma_start3A_57 : memref<1000000x64xf32, #tpu.memory_space<hbm>>) target(%dma_start3A_51 : memref<128x64xf32, #tpu.memory_space<vmem>>) offsets(%dma_start3A_54 : memref<128xi32, #tpu.memory_space<vmem>>) semaphore(%arg18 : memref<!tpu.dma_semaphore, #tpu.memory_space<semaphore_mem>>)
    %dma_start3A_58 = arith.constant 1 : i32
    %dma_start3A_59 = arith.constant 128 : i32
    %dma_start3A_60 = tpu.memref_slice %arg14[%dma_start3A_59] : memref<512xf32, #tpu.memory_space<vmem>> -> memref<128xf32, #tpu.memory_space<vmem>>
    %dma_start3A_61 = arith.constant 0 : i32
    %dma_start3A_62 = tpu.memref_slice %arg10[%dma_start3A_58, %dma_start3A_61] : memref<4x128xi32, #tpu.memory_space<vmem>> -> memref<1x128xi32, #tpu.memory_space<vmem>>
    %dma_start3A_63 = tpu.memref_squeeze %dma_start3A_62 : memref<1x128xi32, #tpu.memory_space<vmem>> -> memref<128xi32, #tpu.memory_space<vmem>>
    %dma_start3A_64 = arith.constant 0 : i32
    %dma_start3A_65 = tpu.memref_slice %arg6[%dma_start3A_64] : memref<1000000xf32, #tpu.memory_space<hbm>> -> memref<1000000xf32, #tpu.memory_space<hbm>>
    tpu.enqueue_indirect_dma source(%dma_start3A_65 : memref<1000000xf32, #tpu.memory_space<hbm>>) target(%dma_start3A_60 : memref<128xf32, #tpu.memory_space<vmem>>) offsets(%dma_start3A_63 : memref<128xi32, #tpu.memory_space<vmem>>) semaphore(%arg18 : memref<!tpu.dma_semaphore, #tpu.memory_space<semaphore_mem>>)
    %dma_start3A_66 = arith.constant 1 : i32
    %dma_start3A_67 = arith.constant 128 : i32
    %dma_start3A_68 = tpu.memref_slice %arg15[%dma_start3A_67] : memref<512xf32, #tpu.memory_space<vmem>> -> memref<128xf32, #tpu.memory_space<vmem>>
    %dma_start3A_69 = arith.constant 0 : i32
    %dma_start3A_70 = tpu.memref_slice %arg11[%dma_start3A_66, %dma_start3A_69] : memref<4x128xi32, #tpu.memory_space<vmem>> -> memref<1x128xi32, #tpu.memory_space<vmem>>
    %dma_start3A_71 = tpu.memref_squeeze %dma_start3A_70 : memref<1x128xi32, #tpu.memory_space<vmem>> -> memref<128xi32, #tpu.memory_space<vmem>>
    %dma_start3A_72 = arith.constant 0 : i32
    %dma_start3A_73 = tpu.memref_slice %arg7[%dma_start3A_72] : memref<1000000xf32, #tpu.memory_space<hbm>> -> memref<1000000xf32, #tpu.memory_space<hbm>>
    tpu.enqueue_indirect_dma source(%dma_start3A_73 : memref<1000000xf32, #tpu.memory_space<hbm>>) target(%dma_start3A_68 : memref<128xf32, #tpu.memory_space<vmem>>) offsets(%dma_start3A_71 : memref<128xi32, #tpu.memory_space<vmem>>) semaphore(%arg18 : memref<!tpu.dma_semaphore, #tpu.memory_space<semaphore_mem>>)
    %dma_start3A_74 = arith.constant 2 : i32
    %dma_start3A_75 = arith.constant 256 : i32
    %dma_start3A_76 = arith.constant 0 : i32
    %dma_start3A_77 = tpu.memref_slice %arg12[%dma_start3A_75, %dma_start3A_76] : memref<512x64xf32, #tpu.memory_space<vmem>> -> memref<128x64xf32, #tpu.memory_space<vmem>>
    %dma_start3A_78 = arith.constant 0 : i32
    %dma_start3A_79 = tpu.memref_slice %arg10[%dma_start3A_74, %dma_start3A_78] : memref<4x128xi32, #tpu.memory_space<vmem>> -> memref<1x128xi32, #tpu.memory_space<vmem>>
    %dma_start3A_80 = tpu.memref_squeeze %dma_start3A_79 : memref<1x128xi32, #tpu.memory_space<vmem>> -> memref<128xi32, #tpu.memory_space<vmem>>
    %dma_start3A_81 = arith.constant 0 : i32
    %dma_start3A_82 = arith.constant 0 : i32
    %dma_start3A_83 = tpu.memref_slice %arg4[%dma_start3A_81, %dma_start3A_82] : memref<1000000x64xf32, #tpu.memory_space<hbm>> -> memref<1000000x64xf32, #tpu.memory_space<hbm>>
    tpu.enqueue_indirect_dma source(%dma_start3A_83 : memref<1000000x64xf32, #tpu.memory_space<hbm>>) target(%dma_start3A_77 : memref<128x64xf32, #tpu.memory_space<vmem>>) offsets(%dma_start3A_80 : memref<128xi32, #tpu.memory_space<vmem>>) semaphore(%arg18 : memref<!tpu.dma_semaphore, #tpu.memory_space<semaphore_mem>>)
    %dma_start3A_84 = arith.constant 2 : i32
    %dma_start3A_85 = arith.constant 256 : i32
    %dma_start3A_86 = arith.constant 0 : i32
    %dma_start3A_87 = tpu.memref_slice %arg13[%dma_start3A_85, %dma_start3A_86] : memref<512x64xf32, #tpu.memory_space<vmem>> -> memref<128x64xf32, #tpu.memory_space<vmem>>
    %dma_start3A_88 = arith.constant 0 : i32
    %dma_start3A_89 = tpu.memref_slice %arg11[%dma_start3A_84, %dma_start3A_88] : memref<4x128xi32, #tpu.memory_space<vmem>> -> memref<1x128xi32, #tpu.memory_space<vmem>>
    %dma_start3A_90 = tpu.memref_squeeze %dma_start3A_89 : memref<1x128xi32, #tpu.memory_space<vmem>> -> memref<128xi32, #tpu.memory_space<vmem>>
    %dma_start3A_91 = arith.constant 0 : i32
    %dma_start3A_92 = arith.constant 0 : i32
    %dma_start3A_93 = tpu.memref_slice %arg5[%dma_start3A_91, %dma_start3A_92] : memref<1000000x64xf32, #tpu.memory_space<hbm>> -> memref<1000000x64xf32, #tpu.memory_space<hbm>>
    tpu.enqueue_indirect_dma source(%dma_start3A_93 : memref<1000000x64xf32, #tpu.memory_space<hbm>>) target(%dma_start3A_87 : memref<128x64xf32, #tpu.memory_space<vmem>>) offsets(%dma_start3A_90 : memref<128xi32, #tpu.memory_space<vmem>>) semaphore(%arg18 : memref<!tpu.dma_semaphore, #tpu.memory_space<semaphore_mem>>)
    %dma_start3A_94 = arith.constant 2 : i32
    %dma_start3A_95 = arith.constant 256 : i32
    %dma_start3A_96 = tpu.memref_slice %arg14[%dma_start3A_95] : memref<512xf32, #tpu.memory_space<vmem>> -> memref<128xf32, #tpu.memory_space<vmem>>
    %dma_start3A_97 = arith.constant 0 : i32
    %dma_start3A_98 = tpu.memref_slice %arg10[%dma_start3A_94, %dma_start3A_97] : memref<4x128xi32, #tpu.memory_space<vmem>> -> memref<1x128xi32, #tpu.memory_space<vmem>>
    %dma_start3A_99 = tpu.memref_squeeze %dma_start3A_98 : memref<1x128xi32, #tpu.memory_space<vmem>> -> memref<128xi32, #tpu.memory_space<vmem>>
    %dma_start3A_100 = arith.constant 0 : i32
    %dma_start3A_101 = tpu.memref_slice %arg6[%dma_start3A_100] : memref<1000000xf32, #tpu.memory_space<hbm>> -> memref<1000000xf32, #tpu.memory_space<hbm>>
    tpu.enqueue_indirect_dma source(%dma_start3A_101 : memref<1000000xf32, #tpu.memory_space<hbm>>) target(%dma_start3A_96 : memref<128xf32, #tpu.memory_space<vmem>>) offsets(%dma_start3A_99 : memref<128xi32, #tpu.memory_space<vmem>>) semaphore(%arg18 : memref<!tpu.dma_semaphore, #tpu.memory_space<semaphore_mem>>)
    %dma_start3A_102 = arith.constant 2 : i32
    %dma_start3A_103 = arith.constant 256 : i32
    %dma_start3A_104 = tpu.memref_slice %arg15[%dma_start3A_103] : memref<512xf32, #tpu.memory_space<vmem>> -> memref<128xf32, #tpu.memory_space<vmem>>
    %dma_start3A_105 = arith.constant 0 : i32
    %dma_start3A_106 = tpu.memref_slice %arg11[%dma_start3A_102, %dma_start3A_105] : memref<4x128xi32, #tpu.memory_space<vmem>> -> memref<1x128xi32, #tpu.memory_space<vmem>>
    %dma_start3A_107 = tpu.memref_squeeze %dma_start3A_106 : memref<1x128xi32, #tpu.memory_space<vmem>> -> memref<128xi32, #tpu.memory_space<vmem>>
    %dma_start3A_108 = arith.constant 0 : i32
    %dma_start3A_109 = tpu.memref_slice %arg7[%dma_start3A_108] : memref<1000000xf32, #tpu.memory_space<hbm>> -> memref<1000000xf32, #tpu.memory_space<hbm>>
    tpu.enqueue_indirect_dma source(%dma_start3A_109 : memref<1000000xf32, #tpu.memory_space<hbm>>) target(%dma_start3A_104 : memref<128xf32, #tpu.memory_space<vmem>>) offsets(%dma_start3A_107 : memref<128xi32, #tpu.memory_space<vmem>>) semaphore(%arg18 : memref<!tpu.dma_semaphore, #tpu.memory_space<semaphore_mem>>)
    %dma_start3A_110 = arith.constant 3 : i32
    %dma_start3A_111 = arith.constant 384 : i32
    %dma_start3A_112 = arith.constant 0 : i32
    %dma_start3A_113 = tpu.memref_slice %arg12[%dma_start3A_111, %dma_start3A_112] : memref<512x64xf32, #tpu.memory_space<vmem>> -> memref<128x64xf32, #tpu.memory_space<vmem>>
    %dma_start3A_114 = arith.constant 0 : i32
    %dma_start3A_115 = tpu.memref_slice %arg10[%dma_start3A_110, %dma_start3A_114] : memref<4x128xi32, #tpu.memory_space<vmem>> -> memref<1x128xi32, #tpu.memory_space<vmem>>
    %dma_start3A_116 = tpu.memref_squeeze %dma_start3A_115 : memref<1x128xi32, #tpu.memory_space<vmem>> -> memref<128xi32, #tpu.memory_space<vmem>>
    %dma_start3A_117 = arith.constant 0 : i32
    %dma_start3A_118 = arith.constant 0 : i32
    %dma_start3A_119 = tpu.memref_slice %arg4[%dma_start3A_117, %dma_start3A_118] : memref<1000000x64xf32, #tpu.memory_space<hbm>> -> memref<1000000x64xf32, #tpu.memory_space<hbm>>
    tpu.enqueue_indirect_dma source(%dma_start3A_119 : memref<1000000x64xf32, #tpu.memory_space<hbm>>) target(%dma_start3A_113 : memref<128x64xf32, #tpu.memory_space<vmem>>) offsets(%dma_start3A_116 : memref<128xi32, #tpu.memory_space<vmem>>) semaphore(%arg18 : memref<!tpu.dma_semaphore, #tpu.memory_space<semaphore_mem>>)
    %dma_start3A_120 = arith.constant 3 : i32
    %dma_start3A_121 = arith.constant 384 : i32
    %dma_start3A_122 = arith.constant 0 : i32
    %dma_start3A_123 = tpu.memref_slice %arg13[%dma_start3A_121, %dma_start3A_122] : memref<512x64xf32, #tpu.memory_space<vmem>> -> memref<128x64xf32, #tpu.memory_space<vmem>>
    %dma_start3A_124 = arith.constant 0 : i32
    %dma_start3A_125 = tpu.memref_slice %arg11[%dma_start3A_120, %dma_start3A_124] : memref<4x128xi32, #tpu.memory_space<vmem>> -> memref<1x128xi32, #tpu.memory_space<vmem>>
    %dma_start3A_126 = tpu.memref_squeeze %dma_start3A_125 : memref<1x128xi32, #tpu.memory_space<vmem>> -> memref<128xi32, #tpu.memory_space<vmem>>
    %dma_start3A_127 = arith.constant 0 : i32
    %dma_start3A_128 = arith.constant 0 : i32
    %dma_start3A_129 = tpu.memref_slice %arg5[%dma_start3A_127, %dma_start3A_128] : memref<1000000x64xf32, #tpu.memory_space<hbm>> -> memref<1000000x64xf32, #tpu.memory_space<hbm>>
    tpu.enqueue_indirect_dma source(%dma_start3A_129 : memref<1000000x64xf32, #tpu.memory_space<hbm>>) target(%dma_start3A_123 : memref<128x64xf32, #tpu.memory_space<vmem>>) offsets(%dma_start3A_126 : memref<128xi32, #tpu.memory_space<vmem>>) semaphore(%arg18 : memref<!tpu.dma_semaphore, #tpu.memory_space<semaphore_mem>>)
    %dma_start3A_130 = arith.constant 3 : i32
    %dma_start3A_131 = arith.constant 384 : i32
    %dma_start3A_132 = tpu.memref_slice %arg14[%dma_start3A_131] : memref<512xf32, #tpu.memory_space<vmem>> -> memref<128xf32, #tpu.memory_space<vmem>>
    %dma_start3A_133 = arith.constant 0 : i32
    %dma_start3A_134 = tpu.memref_slice %arg10[%dma_start3A_130, %dma_start3A_133] : memref<4x128xi32, #tpu.memory_space<vmem>> -> memref<1x128xi32, #tpu.memory_space<vmem>>
    %dma_start3A_135 = tpu.memref_squeeze %dma_start3A_134 : memref<1x128xi32, #tpu.memory_space<vmem>> -> memref<128xi32, #tpu.memory_space<vmem>>
    %dma_start3A_136 = arith.constant 0 : i32
    %dma_start3A_137 = tpu.memref_slice %arg6[%dma_start3A_136] : memref<1000000xf32, #tpu.memory_space<hbm>> -> memref<1000000xf32, #tpu.memory_space<hbm>>
    tpu.enqueue_indirect_dma source(%dma_start3A_137 : memref<1000000xf32, #tpu.memory_space<hbm>>) target(%dma_start3A_132 : memref<128xf32, #tpu.memory_space<vmem>>) offsets(%dma_start3A_135 : memref<128xi32, #tpu.memory_space<vmem>>) semaphore(%arg18 : memref<!tpu.dma_semaphore, #tpu.memory_space<semaphore_mem>>)
    %dma_start3A_138 = arith.constant 3 : i32
    %dma_start3A_139 = arith.constant 384 : i32
    %dma_start3A_140 = tpu.memref_slice %arg15[%dma_start3A_139] : memref<512xf32, #tpu.memory_space<vmem>> -> memref<128xf32, #tpu.memory_space<vmem>>
    %dma_start3A_141 = arith.constant 0 : i32
    %dma_start3A_142 = tpu.memref_slice %arg11[%dma_start3A_138, %dma_start3A_141] : memref<4x128xi32, #tpu.memory_space<vmem>> -> memref<1x128xi32, #tpu.memory_space<vmem>>
    %dma_start3A_143 = tpu.memref_squeeze %dma_start3A_142 : memref<1x128xi32, #tpu.memory_space<vmem>> -> memref<128xi32, #tpu.memory_space<vmem>>
    %dma_start3A_144 = arith.constant 0 : i32
    %dma_start3A_145 = tpu.memref_slice %arg7[%dma_start3A_144] : memref<1000000xf32, #tpu.memory_space<hbm>> -> memref<1000000xf32, #tpu.memory_space<hbm>>
    tpu.enqueue_indirect_dma source(%dma_start3A_145 : memref<1000000xf32, #tpu.memory_space<hbm>>) target(%dma_start3A_140 : memref<128xf32, #tpu.memory_space<vmem>>) offsets(%dma_start3A_143 : memref<128xi32, #tpu.memory_space<vmem>>) semaphore(%arg18 : memref<!tpu.dma_semaphore, #tpu.memory_space<semaphore_mem>>)
    %dma_wait3A = arith.constant 0 : i32
    %dma_wait3A_146 = arith.constant 0 : i32
    %dma_wait3A_147 = arith.constant 0 : i32
    %dma_wait3A_148 = tpu.memref_slice %arg12[%dma_wait3A_146, %dma_wait3A_147] : memref<512x64xf32, #tpu.memory_space<vmem>> -> memref<128x64xf32, #tpu.memory_space<vmem>>
    %dma_wait3A_149 = arith.constant 0 : i32
    %dma_wait3A_150 = tpu.memref_slice %arg10[%dma_wait3A, %dma_wait3A_149] : memref<4x128xi32, #tpu.memory_space<vmem>> -> memref<1x128xi32, #tpu.memory_space<vmem>>
    %dma_wait3A_151 = tpu.memref_squeeze %dma_wait3A_150 : memref<1x128xi32, #tpu.memory_space<vmem>> -> memref<128xi32, #tpu.memory_space<vmem>>
    %dma_wait3A_152 = arith.constant 0 : i32
    %dma_wait3A_153 = arith.constant 0 : i32
    %dma_wait3A_154 = tpu.memref_slice %arg4[%dma_wait3A_152, %dma_wait3A_153] : memref<1000000x64xf32, #tpu.memory_space<hbm>> -> memref<1000000x64xf32, #tpu.memory_space<hbm>>
    tpu.wait_indirect_dma semaphore(%arg18 : memref<!tpu.dma_semaphore, #tpu.memory_space<semaphore_mem>>) src(%dma_wait3A_154 : memref<1000000x64xf32, #tpu.memory_space<hbm>>) dst(%dma_wait3A_148 : memref<128x64xf32, #tpu.memory_space<vmem>>)
    %dma_wait3A_155 = arith.constant 0 : i32
    %dma_wait3A_156 = arith.constant 0 : i32
    %dma_wait3A_157 = arith.constant 0 : i32
    %dma_wait3A_158 = tpu.memref_slice %arg13[%dma_wait3A_156, %dma_wait3A_157] : memref<512x64xf32, #tpu.memory_space<vmem>> -> memref<128x64xf32, #tpu.memory_space<vmem>>
    %dma_wait3A_159 = arith.constant 0 : i32
    %dma_wait3A_160 = tpu.memref_slice %arg11[%dma_wait3A_155, %dma_wait3A_159] : memref<4x128xi32, #tpu.memory_space<vmem>> -> memref<1x128xi32, #tpu.memory_space<vmem>>
    %dma_wait3A_161 = tpu.memref_squeeze %dma_wait3A_160 : memref<1x128xi32, #tpu.memory_space<vmem>> -> memref<128xi32, #tpu.memory_space<vmem>>
    %dma_wait3A_162 = arith.constant 0 : i32
    %dma_wait3A_163 = arith.constant 0 : i32
    %dma_wait3A_164 = tpu.memref_slice %arg5[%dma_wait3A_162, %dma_wait3A_163] : memref<1000000x64xf32, #tpu.memory_space<hbm>> -> memref<1000000x64xf32, #tpu.memory_space<hbm>>
    tpu.wait_indirect_dma semaphore(%arg18 : memref<!tpu.dma_semaphore, #tpu.memory_space<semaphore_mem>>) src(%dma_wait3A_164 : memref<1000000x64xf32, #tpu.memory_space<hbm>>) dst(%dma_wait3A_158 : memref<128x64xf32, #tpu.memory_space<vmem>>)
    %dma_wait3A_165 = arith.constant 0 : i32
    %dma_wait3A_166 = arith.constant 0 : i32
    %dma_wait3A_167 = tpu.memref_slice %arg14[%dma_wait3A_166] : memref<512xf32, #tpu.memory_space<vmem>> -> memref<128xf32, #tpu.memory_space<vmem>>
    %dma_wait3A_168 = arith.constant 0 : i32
    %dma_wait3A_169 = tpu.memref_slice %arg10[%dma_wait3A_165, %dma_wait3A_168] : memref<4x128xi32, #tpu.memory_space<vmem>> -> memref<1x128xi32, #tpu.memory_space<vmem>>
    %dma_wait3A_170 = tpu.memref_squeeze %dma_wait3A_169 : memref<1x128xi32, #tpu.memory_space<vmem>> -> memref<128xi32, #tpu.memory_space<vmem>>
    %dma_wait3A_171 = arith.constant 0 : i32
    %dma_wait3A_172 = tpu.memref_slice %arg6[%dma_wait3A_171] : memref<1000000xf32, #tpu.memory_space<hbm>> -> memref<1000000xf32, #tpu.memory_space<hbm>>
    tpu.wait_indirect_dma semaphore(%arg18 : memref<!tpu.dma_semaphore, #tpu.memory_space<semaphore_mem>>) src(%dma_wait3A_172 : memref<1000000xf32, #tpu.memory_space<hbm>>) dst(%dma_wait3A_167 : memref<128xf32, #tpu.memory_space<vmem>>)
    %dma_wait3A_173 = arith.constant 0 : i32
    %dma_wait3A_174 = arith.constant 0 : i32
    %dma_wait3A_175 = tpu.memref_slice %arg15[%dma_wait3A_174] : memref<512xf32, #tpu.memory_space<vmem>> -> memref<128xf32, #tpu.memory_space<vmem>>
    %dma_wait3A_176 = arith.constant 0 : i32
    %dma_wait3A_177 = tpu.memref_slice %arg11[%dma_wait3A_173, %dma_wait3A_176] : memref<4x128xi32, #tpu.memory_space<vmem>> -> memref<1x128xi32, #tpu.memory_space<vmem>>
    %dma_wait3A_178 = tpu.memref_squeeze %dma_wait3A_177 : memref<1x128xi32, #tpu.memory_space<vmem>> -> memref<128xi32, #tpu.memory_space<vmem>>
    %dma_wait3A_179 = arith.constant 0 : i32
    %dma_wait3A_180 = tpu.memref_slice %arg7[%dma_wait3A_179] : memref<1000000xf32, #tpu.memory_space<hbm>> -> memref<1000000xf32, #tpu.memory_space<hbm>>
    tpu.wait_indirect_dma semaphore(%arg18 : memref<!tpu.dma_semaphore, #tpu.memory_space<semaphore_mem>>) src(%dma_wait3A_180 : memref<1000000xf32, #tpu.memory_space<hbm>>) dst(%dma_wait3A_175 : memref<128xf32, #tpu.memory_space<vmem>>)
    %dma_wait3A_181 = arith.constant 1 : i32
    %dma_wait3A_182 = arith.constant 128 : i32
    %dma_wait3A_183 = arith.constant 0 : i32
    %dma_wait3A_184 = tpu.memref_slice %arg12[%dma_wait3A_182, %dma_wait3A_183] : memref<512x64xf32, #tpu.memory_space<vmem>> -> memref<128x64xf32, #tpu.memory_space<vmem>>
    %dma_wait3A_185 = arith.constant 0 : i32
    %dma_wait3A_186 = tpu.memref_slice %arg10[%dma_wait3A_181, %dma_wait3A_185] : memref<4x128xi32, #tpu.memory_space<vmem>> -> memref<1x128xi32, #tpu.memory_space<vmem>>
    %dma_wait3A_187 = tpu.memref_squeeze %dma_wait3A_186 : memref<1x128xi32, #tpu.memory_space<vmem>> -> memref<128xi32, #tpu.memory_space<vmem>>
    %dma_wait3A_188 = arith.constant 0 : i32
    %dma_wait3A_189 = arith.constant 0 : i32
    %dma_wait3A_190 = tpu.memref_slice %arg4[%dma_wait3A_188, %dma_wait3A_189] : memref<1000000x64xf32, #tpu.memory_space<hbm>> -> memref<1000000x64xf32, #tpu.memory_space<hbm>>
    tpu.wait_indirect_dma semaphore(%arg18 : memref<!tpu.dma_semaphore, #tpu.memory_space<semaphore_mem>>) src(%dma_wait3A_190 : memref<1000000x64xf32, #tpu.memory_space<hbm>>) dst(%dma_wait3A_184 : memref<128x64xf32, #tpu.memory_space<vmem>>)
    %dma_wait3A_191 = arith.constant 1 : i32
    %dma_wait3A_192 = arith.constant 128 : i32
    %dma_wait3A_193 = arith.constant 0 : i32
    %dma_wait3A_194 = tpu.memref_slice %arg13[%dma_wait3A_192, %dma_wait3A_193] : memref<512x64xf32, #tpu.memory_space<vmem>> -> memref<128x64xf32, #tpu.memory_space<vmem>>
    %dma_wait3A_195 = arith.constant 0 : i32
    %dma_wait3A_196 = tpu.memref_slice %arg11[%dma_wait3A_191, %dma_wait3A_195] : memref<4x128xi32, #tpu.memory_space<vmem>> -> memref<1x128xi32, #tpu.memory_space<vmem>>
    %dma_wait3A_197 = tpu.memref_squeeze %dma_wait3A_196 : memref<1x128xi32, #tpu.memory_space<vmem>> -> memref<128xi32, #tpu.memory_space<vmem>>
    %dma_wait3A_198 = arith.constant 0 : i32
    %dma_wait3A_199 = arith.constant 0 : i32
    %dma_wait3A_200 = tpu.memref_slice %arg5[%dma_wait3A_198, %dma_wait3A_199] : memref<1000000x64xf32, #tpu.memory_space<hbm>> -> memref<1000000x64xf32, #tpu.memory_space<hbm>>
    tpu.wait_indirect_dma semaphore(%arg18 : memref<!tpu.dma_semaphore, #tpu.memory_space<semaphore_mem>>) src(%dma_wait3A_200 : memref<1000000x64xf32, #tpu.memory_space<hbm>>) dst(%dma_wait3A_194 : memref<128x64xf32, #tpu.memory_space<vmem>>)
    %dma_wait3A_201 = arith.constant 1 : i32
    %dma_wait3A_202 = arith.constant 128 : i32
    %dma_wait3A_203 = tpu.memref_slice %arg14[%dma_wait3A_202] : memref<512xf32, #tpu.memory_space<vmem>> -> memref<128xf32, #tpu.memory_space<vmem>>
    %dma_wait3A_204 = arith.constant 0 : i32
    %dma_wait3A_205 = tpu.memref_slice %arg10[%dma_wait3A_201, %dma_wait3A_204] : memref<4x128xi32, #tpu.memory_space<vmem>> -> memref<1x128xi32, #tpu.memory_space<vmem>>
    %dma_wait3A_206 = tpu.memref_squeeze %dma_wait3A_205 : memref<1x128xi32, #tpu.memory_space<vmem>> -> memref<128xi32, #tpu.memory_space<vmem>>
    %dma_wait3A_207 = arith.constant 0 : i32
    %dma_wait3A_208 = tpu.memref_slice %arg6[%dma_wait3A_207] : memref<1000000xf32, #tpu.memory_space<hbm>> -> memref<1000000xf32, #tpu.memory_space<hbm>>
    tpu.wait_indirect_dma semaphore(%arg18 : memref<!tpu.dma_semaphore, #tpu.memory_space<semaphore_mem>>) src(%dma_wait3A_208 : memref<1000000xf32, #tpu.memory_space<hbm>>) dst(%dma_wait3A_203 : memref<128xf32, #tpu.memory_space<vmem>>)
    %dma_wait3A_209 = arith.constant 1 : i32
    %dma_wait3A_210 = arith.constant 128 : i32
    %dma_wait3A_211 = tpu.memref_slice %arg15[%dma_wait3A_210] : memref<512xf32, #tpu.memory_space<vmem>> -> memref<128xf32, #tpu.memory_space<vmem>>
    %dma_wait3A_212 = arith.constant 0 : i32
    %dma_wait3A_213 = tpu.memref_slice %arg11[%dma_wait3A_209, %dma_wait3A_212] : memref<4x128xi32, #tpu.memory_space<vmem>> -> memref<1x128xi32, #tpu.memory_space<vmem>>
    %dma_wait3A_214 = tpu.memref_squeeze %dma_wait3A_213 : memref<1x128xi32, #tpu.memory_space<vmem>> -> memref<128xi32, #tpu.memory_space<vmem>>
    %dma_wait3A_215 = arith.constant 0 : i32
    %dma_wait3A_216 = tpu.memref_slice %arg7[%dma_wait3A_215] : memref<1000000xf32, #tpu.memory_space<hbm>> -> memref<1000000xf32, #tpu.memory_space<hbm>>
    tpu.wait_indirect_dma semaphore(%arg18 : memref<!tpu.dma_semaphore, #tpu.memory_space<semaphore_mem>>) src(%dma_wait3A_216 : memref<1000000xf32, #tpu.memory_space<hbm>>) dst(%dma_wait3A_211 : memref<128xf32, #tpu.memory_space<vmem>>)
    %dma_wait3A_217 = arith.constant 2 : i32
    %dma_wait3A_218 = arith.constant 256 : i32
    %dma_wait3A_219 = arith.constant 0 : i32
    %dma_wait3A_220 = tpu.memref_slice %arg12[%dma_wait3A_218, %dma_wait3A_219] : memref<512x64xf32, #tpu.memory_space<vmem>> -> memref<128x64xf32, #tpu.memory_space<vmem>>
    %dma_wait3A_221 = arith.constant 0 : i32
    %dma_wait3A_222 = tpu.memref_slice %arg10[%dma_wait3A_217, %dma_wait3A_221] : memref<4x128xi32, #tpu.memory_space<vmem>> -> memref<1x128xi32, #tpu.memory_space<vmem>>
    %dma_wait3A_223 = tpu.memref_squeeze %dma_wait3A_222 : memref<1x128xi32, #tpu.memory_space<vmem>> -> memref<128xi32, #tpu.memory_space<vmem>>
    %dma_wait3A_224 = arith.constant 0 : i32
    %dma_wait3A_225 = arith.constant 0 : i32
    %dma_wait3A_226 = tpu.memref_slice %arg4[%dma_wait3A_224, %dma_wait3A_225] : memref<1000000x64xf32, #tpu.memory_space<hbm>> -> memref<1000000x64xf32, #tpu.memory_space<hbm>>
    tpu.wait_indirect_dma semaphore(%arg18 : memref<!tpu.dma_semaphore, #tpu.memory_space<semaphore_mem>>) src(%dma_wait3A_226 : memref<1000000x64xf32, #tpu.memory_space<hbm>>) dst(%dma_wait3A_220 : memref<128x64xf32, #tpu.memory_space<vmem>>)
    %dma_wait3A_227 = arith.constant 2 : i32
    %dma_wait3A_228 = arith.constant 256 : i32
    %dma_wait3A_229 = arith.constant 0 : i32
    %dma_wait3A_230 = tpu.memref_slice %arg13[%dma_wait3A_228, %dma_wait3A_229] : memref<512x64xf32, #tpu.memory_space<vmem>> -> memref<128x64xf32, #tpu.memory_space<vmem>>
    %dma_wait3A_231 = arith.constant 0 : i32
    %dma_wait3A_232 = tpu.memref_slice %arg11[%dma_wait3A_227, %dma_wait3A_231] : memref<4x128xi32, #tpu.memory_space<vmem>> -> memref<1x128xi32, #tpu.memory_space<vmem>>
    %dma_wait3A_233 = tpu.memref_squeeze %dma_wait3A_232 : memref<1x128xi32, #tpu.memory_space<vmem>> -> memref<128xi32, #tpu.memory_space<vmem>>
    %dma_wait3A_234 = arith.constant 0 : i32
    %dma_wait3A_235 = arith.constant 0 : i32
    %dma_wait3A_236 = tpu.memref_slice %arg5[%dma_wait3A_234, %dma_wait3A_235] : memref<1000000x64xf32, #tpu.memory_space<hbm>> -> memref<1000000x64xf32, #tpu.memory_space<hbm>>
    tpu.wait_indirect_dma semaphore(%arg18 : memref<!tpu.dma_semaphore, #tpu.memory_space<semaphore_mem>>) src(%dma_wait3A_236 : memref<1000000x64xf32, #tpu.memory_space<hbm>>) dst(%dma_wait3A_230 : memref<128x64xf32, #tpu.memory_space<vmem>>)
    %dma_wait3A_237 = arith.constant 2 : i32
    %dma_wait3A_238 = arith.constant 256 : i32
    %dma_wait3A_239 = tpu.memref_slice %arg14[%dma_wait3A_238] : memref<512xf32, #tpu.memory_space<vmem>> -> memref<128xf32, #tpu.memory_space<vmem>>
    %dma_wait3A_240 = arith.constant 0 : i32
    %dma_wait3A_241 = tpu.memref_slice %arg10[%dma_wait3A_237, %dma_wait3A_240] : memref<4x128xi32, #tpu.memory_space<vmem>> -> memref<1x128xi32, #tpu.memory_space<vmem>>
    %dma_wait3A_242 = tpu.memref_squeeze %dma_wait3A_241 : memref<1x128xi32, #tpu.memory_space<vmem>> -> memref<128xi32, #tpu.memory_space<vmem>>
    %dma_wait3A_243 = arith.constant 0 : i32
    %dma_wait3A_244 = tpu.memref_slice %arg6[%dma_wait3A_243] : memref<1000000xf32, #tpu.memory_space<hbm>> -> memref<1000000xf32, #tpu.memory_space<hbm>>
    tpu.wait_indirect_dma semaphore(%arg18 : memref<!tpu.dma_semaphore, #tpu.memory_space<semaphore_mem>>) src(%dma_wait3A_244 : memref<1000000xf32, #tpu.memory_space<hbm>>) dst(%dma_wait3A_239 : memref<128xf32, #tpu.memory_space<vmem>>)
    %dma_wait3A_245 = arith.constant 2 : i32
    %dma_wait3A_246 = arith.constant 256 : i32
    %dma_wait3A_247 = tpu.memref_slice %arg15[%dma_wait3A_246] : memref<512xf32, #tpu.memory_space<vmem>> -> memref<128xf32, #tpu.memory_space<vmem>>
    %dma_wait3A_248 = arith.constant 0 : i32
    %dma_wait3A_249 = tpu.memref_slice %arg11[%dma_wait3A_245, %dma_wait3A_248] : memref<4x128xi32, #tpu.memory_space<vmem>> -> memref<1x128xi32, #tpu.memory_space<vmem>>
    %dma_wait3A_250 = tpu.memref_squeeze %dma_wait3A_249 : memref<1x128xi32, #tpu.memory_space<vmem>> -> memref<128xi32, #tpu.memory_space<vmem>>
    %dma_wait3A_251 = arith.constant 0 : i32
    %dma_wait3A_252 = tpu.memref_slice %arg7[%dma_wait3A_251] : memref<1000000xf32, #tpu.memory_space<hbm>> -> memref<1000000xf32, #tpu.memory_space<hbm>>
    tpu.wait_indirect_dma semaphore(%arg18 : memref<!tpu.dma_semaphore, #tpu.memory_space<semaphore_mem>>) src(%dma_wait3A_252 : memref<1000000xf32, #tpu.memory_space<hbm>>) dst(%dma_wait3A_247 : memref<128xf32, #tpu.memory_space<vmem>>)
    %dma_wait3A_253 = arith.constant 3 : i32
    %dma_wait3A_254 = arith.constant 384 : i32
    %dma_wait3A_255 = arith.constant 0 : i32
    %dma_wait3A_256 = tpu.memref_slice %arg12[%dma_wait3A_254, %dma_wait3A_255] : memref<512x64xf32, #tpu.memory_space<vmem>> -> memref<128x64xf32, #tpu.memory_space<vmem>>
    %dma_wait3A_257 = arith.constant 0 : i32
    %dma_wait3A_258 = tpu.memref_slice %arg10[%dma_wait3A_253, %dma_wait3A_257] : memref<4x128xi32, #tpu.memory_space<vmem>> -> memref<1x128xi32, #tpu.memory_space<vmem>>
    %dma_wait3A_259 = tpu.memref_squeeze %dma_wait3A_258 : memref<1x128xi32, #tpu.memory_space<vmem>> -> memref<128xi32, #tpu.memory_space<vmem>>
    %dma_wait3A_260 = arith.constant 0 : i32
    %dma_wait3A_261 = arith.constant 0 : i32
    %dma_wait3A_262 = tpu.memref_slice %arg4[%dma_wait3A_260, %dma_wait3A_261] : memref<1000000x64xf32, #tpu.memory_space<hbm>> -> memref<1000000x64xf32, #tpu.memory_space<hbm>>
    tpu.wait_indirect_dma semaphore(%arg18 : memref<!tpu.dma_semaphore, #tpu.memory_space<semaphore_mem>>) src(%dma_wait3A_262 : memref<1000000x64xf32, #tpu.memory_space<hbm>>) dst(%dma_wait3A_256 : memref<128x64xf32, #tpu.memory_space<vmem>>)
    %dma_wait3A_263 = arith.constant 3 : i32
    %dma_wait3A_264 = arith.constant 384 : i32
    %dma_wait3A_265 = arith.constant 0 : i32
    %dma_wait3A_266 = tpu.memref_slice %arg13[%dma_wait3A_264, %dma_wait3A_265] : memref<512x64xf32, #tpu.memory_space<vmem>> -> memref<128x64xf32, #tpu.memory_space<vmem>>
    %dma_wait3A_267 = arith.constant 0 : i32
    %dma_wait3A_268 = tpu.memref_slice %arg11[%dma_wait3A_263, %dma_wait3A_267] : memref<4x128xi32, #tpu.memory_space<vmem>> -> memref<1x128xi32, #tpu.memory_space<vmem>>
    %dma_wait3A_269 = tpu.memref_squeeze %dma_wait3A_268 : memref<1x128xi32, #tpu.memory_space<vmem>> -> memref<128xi32, #tpu.memory_space<vmem>>
    %dma_wait3A_270 = arith.constant 0 : i32
    %dma_wait3A_271 = arith.constant 0 : i32
    %dma_wait3A_272 = tpu.memref_slice %arg5[%dma_wait3A_270, %dma_wait3A_271] : memref<1000000x64xf32, #tpu.memory_space<hbm>> -> memref<1000000x64xf32, #tpu.memory_space<hbm>>
    tpu.wait_indirect_dma semaphore(%arg18 : memref<!tpu.dma_semaphore, #tpu.memory_space<semaphore_mem>>) src(%dma_wait3A_272 : memref<1000000x64xf32, #tpu.memory_space<hbm>>) dst(%dma_wait3A_266 : memref<128x64xf32, #tpu.memory_space<vmem>>)
    %dma_wait3A_273 = arith.constant 3 : i32
    %dma_wait3A_274 = arith.constant 384 : i32
    %dma_wait3A_275 = tpu.memref_slice %arg14[%dma_wait3A_274] : memref<512xf32, #tpu.memory_space<vmem>> -> memref<128xf32, #tpu.memory_space<vmem>>
    %dma_wait3A_276 = arith.constant 0 : i32
    %dma_wait3A_277 = tpu.memref_slice %arg10[%dma_wait3A_273, %dma_wait3A_276] : memref<4x128xi32, #tpu.memory_space<vmem>> -> memref<1x128xi32, #tpu.memory_space<vmem>>
    %dma_wait3A_278 = tpu.memref_squeeze %dma_wait3A_277 : memref<1x128xi32, #tpu.memory_space<vmem>> -> memref<128xi32, #tpu.memory_space<vmem>>
    %dma_wait3A_279 = arith.constant 0 : i32
    %dma_wait3A_280 = tpu.memref_slice %arg6[%dma_wait3A_279] : memref<1000000xf32, #tpu.memory_space<hbm>> -> memref<1000000xf32, #tpu.memory_space<hbm>>
    tpu.wait_indirect_dma semaphore(%arg18 : memref<!tpu.dma_semaphore, #tpu.memory_space<semaphore_mem>>) src(%dma_wait3A_280 : memref<1000000xf32, #tpu.memory_space<hbm>>) dst(%dma_wait3A_275 : memref<128xf32, #tpu.memory_space<vmem>>)
    %dma_wait3A_281 = arith.constant 3 : i32
    %dma_wait3A_282 = arith.constant 384 : i32
    %dma_wait3A_283 = tpu.memref_slice %arg15[%dma_wait3A_282] : memref<512xf32, #tpu.memory_space<vmem>> -> memref<128xf32, #tpu.memory_space<vmem>>
    %dma_wait3A_284 = arith.constant 0 : i32
    %dma_wait3A_285 = tpu.memref_slice %arg11[%dma_wait3A_281, %dma_wait3A_284] : memref<4x128xi32, #tpu.memory_space<vmem>> -> memref<1x128xi32, #tpu.memory_space<vmem>>
    %dma_wait3A_286 = tpu.memref_squeeze %dma_wait3A_285 : memref<1x128xi32, #tpu.memory_space<vmem>> -> memref<128xi32, #tpu.memory_space<vmem>>
    %dma_wait3A_287 = arith.constant 0 : i32
    %dma_wait3A_288 = tpu.memref_slice %arg7[%dma_wait3A_287] : memref<1000000xf32, #tpu.memory_space<hbm>> -> memref<1000000xf32, #tpu.memory_space<hbm>>
    tpu.wait_indirect_dma semaphore(%arg18 : memref<!tpu.dma_semaphore, #tpu.memory_space<semaphore_mem>>) src(%dma_wait3A_288 : memref<1000000xf32, #tpu.memory_space<hbm>>) dst(%dma_wait3A_283 : memref<128xf32, #tpu.memory_space<vmem>>)
    %get3A = arith.constant 0 : index
    %get3A_289 = tpu.vector_load %arg16[%get3A] {strides = array<i32>} : memref<16xf32, #tpu.memory_space<vmem>>, vector<16xf32>,
    %iota3A = tpu.iota {dimensions = array<i32: 0>} : vector<16xi32>
    %scan3A = arith.constant 0 : i32
    %scan3A_290 = arith.constant 0 : i32
    %scan3A_291 = arith.constant 32 : i32
    %scan3A_292 = arith.addi %scan3A_290, %scan3A_291 : i32
    %scan3A_293 = arith.constant 1 : i32
    scf.for %scan3A_297 = %scan3A_290 to %scan3A_292 step %scan3A_293  : i32 {
      %mul3A_298 = arith.constant 16 : i32
      %mul3A_299 = arith.muli %scan3A_297, %mul3A_298 : i32
      %add3A_300 = vector.broadcast %mul3A_299 : i32 to vector<16xi32>
      %add3A_301 = arith.addi %iota3A, %add3A_300 : vector<16xi32>
      %mul3A_302 = arith.constant 16 : i32
      %mul3A_303 = arith.muli %scan3A_297, %mul3A_302 : i32
      %get3A_304 = arith.index_cast %mul3A_303 : i32 to index
      %get3A_305 = tpu.vector_load %arg14[%get3A_304] {strides = array<i32>} : memref<512xf32, #tpu.memory_space<vmem>>, vector<16xf32>,
      %add3A_306 = arith.addf %get3A_289, %get3A_305 : vector<16xf32>
      %mul3A_307 = arith.constant 16 : i32
      %mul3A_308 = arith.muli %scan3A_297, %mul3A_307 : i32
      %get3A_309 = arith.index_cast %mul3A_308 : i32 to index
      %get3A_310 = tpu.vector_load %arg15[%get3A_309] {strides = array<i32>} : memref<512xf32, #tpu.memory_space<vmem>>, vector<16xf32>,
      %add3A_311 = arith.addf %add3A_306, %get3A_310 : vector<16xf32>
      %broadcast_in_dim3A = arith.constant 0 : i32
      %broadcast_in_dim3A_312 = vector.broadcast %broadcast_in_dim3A : i32 to vector<16xi32>
      %gather3A = tpu.vector_load_idx %arg12[%add3A_301, %broadcast_in_dim3A_312] : memref<512x64xf32, #tpu.memory_space<vmem>>[vector<16xi32>, vector<16xi32>], vector<16xf32>,
      %gather3A_313 = tpu.vector_load_idx %arg13[%add3A_301, %broadcast_in_dim3A_312] : memref<512x64xf32, #tpu.memory_space<vmem>>[vector<16xi32>, vector<16xi32>], vector<16xf32>,
      %mul3A_314 = arith.mulf %gather3A, %gather3A_313 : vector<16xf32>
      %add3A_315 = arith.addf %add3A_311, %mul3A_314 : vector<16xf32>
      %broadcast_in_dim3A_316 = arith.constant 1 : i32
      %broadcast_in_dim3A_317 = vector.broadcast %broadcast_in_dim3A_316 : i32 to vector<16xi32>
      %gather3A_318 = tpu.vector_load_idx %arg12[%add3A_301, %broadcast_in_dim3A_317] : memref<512x64xf32, #tpu.memory_space<vmem>>[vector<16xi32>, vector<16xi32>], vector<16xf32>,
      %gather3A_319 = tpu.vector_load_idx %arg13[%add3A_301, %broadcast_in_dim3A_317] : memref<512x64xf32, #tpu.memory_space<vmem>>[vector<16xi32>, vector<16xi32>], vector<16xf32>,
      %mul3A_320 = arith.mulf %gather3A_318, %gather3A_319 : vector<16xf32>
      %add3A_321 = arith.addf %add3A_315, %mul3A_320 : vector<16xf32>
      %broadcast_in_dim3A_322 = arith.constant 2 : i32
      %broadcast_in_dim3A_323 = vector.broadcast %broadcast_in_dim3A_322 : i32 to vector<16xi32>
      %gather3A_324 = tpu.vector_load_idx %arg12[%add3A_301, %broadcast_in_dim3A_323] : memref<512x64xf32, #tpu.memory_space<vmem>>[vector<16xi32>, vector<16xi32>], vector<16xf32>,
      %gather3A_325 = tpu.vector_load_idx %arg13[%add3A_301, %broadcast_in_dim3A_323] : memref<512x64xf32, #tpu.memory_space<vmem>>[vector<16xi32>, vector<16xi32>], vector<16xf32>,
      %mul3A_326 = arith.mulf %gather3A_324, %gather3A_325 : vector<16xf32>
      %add3A_327 = arith.addf %add3A_321, %mul3A_326 : vector<16xf32>
      %broadcast_in_dim3A_328 = arith.constant 3 : i32
      %broadcast_in_dim3A_329 = vector.broadcast %broadcast_in_dim3A_328 : i32 to vector<16xi32>
      %gather3A_330 = tpu.vector_load_idx %arg12[%add3A_301, %broadcast_in_dim3A_329] : memref<512x64xf32, #tpu.memory_space<vmem>>[vector<16xi32>, vector<16xi32>], vector<16xf32>,
      %gather3A_331 = tpu.vector_load_idx %arg13[%add3A_301, %broadcast_in_dim3A_329] : memref<512x64xf32, #tpu.memory_space<vmem>>[vector<16xi32>, vector<16xi32>], vector<16xf32>,
      %mul3A_332 = arith.mulf %gather3A_330, %gather3A_331 : vector<16xf32>
      %add3A_333 = arith.addf %add3A_327, %mul3A_332 : vector<16xf32>
      %broadcast_in_dim3A_334 = arith.constant 4 : i32
      %broadcast_in_dim3A_335 = vector.broadcast %broadcast_in_dim3A_334 : i32 to vector<16xi32>
      %gather3A_336 = tpu.vector_load_idx %arg12[%add3A_301, %broadcast_in_dim3A_335] : memref<512x64xf32, #tpu.memory_space<vmem>>[vector<16xi32>, vector<16xi32>], vector<16xf32>,
      %gather3A_337 = tpu.vector_load_idx %arg13[%add3A_301, %broadcast_in_dim3A_335] : memref<512x64xf32, #tpu.memory_space<vmem>>[vector<16xi32>, vector<16xi32>], vector<16xf32>,
      %mul3A_338 = arith.mulf %gather3A_336, %gather3A_337 : vector<16xf32>
      %add3A_339 = arith.addf %add3A_333, %mul3A_338 : vector<16xf32>
      %broadcast_in_dim3A_340 = arith.constant 5 : i32
      %broadcast_in_dim3A_341 = vector.broadcast %broadcast_in_dim3A_340 : i32 to vector<16xi32>
      %gather3A_342 = tpu.vector_load_idx %arg12[%add3A_301, %broadcast_in_dim3A_341] : memref<512x64xf32, #tpu.memory_space<vmem>>[vector<16xi32>, vector<16xi32>], vector<16xf32>,
      %gather3A_343 = tpu.vector_load_idx %arg13[%add3A_301, %broadcast_in_dim3A_341] : memref<512x64xf32, #tpu.memory_space<vmem>>[vector<16xi32>, vector<16xi32>], vector<16xf32>,
      %mul3A_344 = arith.mulf %gather3A_342, %gather3A_343 : vector<16xf32>
      %add3A_345 = arith.addf %add3A_339, %mul3A_344 : vector<16xf32>
      %broadcast_in_dim3A_346 = arith.constant 6 : i32
      %broadcast_in_dim3A_347 = vector.broadcast %broadcast_in_dim3A_346 : i32 to vector<16xi32>
      %gather3A_348 = tpu.vector_load_idx %arg12[%add3A_301, %broadcast_in_dim3A_347] : memref<512x64xf32, #tpu.memory_space<vmem>>[vector<16xi32>, vector<16xi32>], vector<16xf32>,
      %gather3A_349 = tpu.vector_load_idx %arg13[%add3A_301, %broadcast_in_dim3A_347] : memref<512x64xf32, #tpu.memory_space<vmem>>[vector<16xi32>, vector<16xi32>], vector<16xf32>,
      %mul3A_350 = arith.mulf %gather3A_348, %gather3A_349 : vector<16xf32>
      %add3A_351 = arith.addf %add3A_345, %mul3A_350 : vector<16xf32>
      %broadcast_in_dim3A_352 = arith.constant 7 : i32
      %broadcast_in_dim3A_353 = vector.broadcast %broadcast_in_dim3A_352 : i32 to vector<16xi32>
      %gather3A_354 = tpu.vector_load_idx %arg12[%add3A_301, %broadcast_in_dim3A_353] : memref<512x64xf32, #tpu.memory_space<vmem>>[vector<16xi32>, vector<16xi32>], vector<16xf32>,
      %gather3A_355 = tpu.vector_load_idx %arg13[%add3A_301, %broadcast_in_dim3A_353] : memref<512x64xf32, #tpu.memory_space<vmem>>[vector<16xi32>, vector<16xi32>], vector<16xf32>,
      %mul3A_356 = arith.mulf %gather3A_354, %gather3A_355 : vector<16xf32>
      %add3A_357 = arith.addf %add3A_351, %mul3A_356 : vector<16xf32>
      %broadcast_in_dim3A_358 = arith.constant 8 : i32
      %broadcast_in_dim3A_359 = vector.broadcast %broadcast_in_dim3A_358 : i32 to vector<16xi32>
      %gather3A_360 = tpu.vector_load_idx %arg12[%add3A_301, %broadcast_in_dim3A_359] : memref<512x64xf32, #tpu.memory_space<vmem>>[vector<16xi32>, vector<16xi32>], vector<16xf32>,
      %gather3A_361 = tpu.vector_load_idx %arg13[%add3A_301, %broadcast_in_dim3A_359] : memref<512x64xf32, #tpu.memory_space<vmem>>[vector<16xi32>, vector<16xi32>], vector<16xf32>,
      %mul3A_362 = arith.mulf %gather3A_360, %gather3A_361 : vector<16xf32>
      %add3A_363 = arith.addf %add3A_357, %mul3A_362 : vector<16xf32>
      %broadcast_in_dim3A_364 = arith.constant 9 : i32
      %broadcast_in_dim3A_365 = vector.broadcast %broadcast_in_dim3A_364 : i32 to vector<16xi32>
      %gather3A_366 = tpu.vector_load_idx %arg12[%add3A_301, %broadcast_in_dim3A_365] : memref<512x64xf32, #tpu.memory_space<vmem>>[vector<16xi32>, vector<16xi32>], vector<16xf32>,
      %gather3A_367 = tpu.vector_load_idx %arg13[%add3A_301, %broadcast_in_dim3A_365] : memref<512x64xf32, #tpu.memory_space<vmem>>[vector<16xi32>, vector<16xi32>], vector<16xf32>,
      %mul3A_368 = arith.mulf %gather3A_366, %gather3A_367 : vector<16xf32>
      %add3A_369 = arith.addf %add3A_363, %mul3A_368 : vector<16xf32>
      %broadcast_in_dim3A_370 = arith.constant 10 : i32
      %broadcast_in_dim3A_371 = vector.broadcast %broadcast_in_dim3A_370 : i32 to vector<16xi32>
      %gather3A_372 = tpu.vector_load_idx %arg12[%add3A_301, %broadcast_in_dim3A_371] : memref<512x64xf32, #tpu.memory_space<vmem>>[vector<16xi32>, vector<16xi32>], vector<16xf32>,
      %gather3A_373 = tpu.vector_load_idx %arg13[%add3A_301, %broadcast_in_dim3A_371] : memref<512x64xf32, #tpu.memory_space<vmem>>[vector<16xi32>, vector<16xi32>], vector<16xf32>,
      %mul3A_374 = arith.mulf %gather3A_372, %gather3A_373 : vector<16xf32>
      %add3A_375 = arith.addf %add3A_369, %mul3A_374 : vector<16xf32>
      %broadcast_in_dim3A_376 = arith.constant 11 : i32
      %broadcast_in_dim3A_377 = vector.broadcast %broadcast_in_dim3A_376 : i32 to vector<16xi32>
      %gather3A_378 = tpu.vector_load_idx %arg12[%add3A_301, %broadcast_in_dim3A_377] : memref<512x64xf32, #tpu.memory_space<vmem>>[vector<16xi32>, vector<16xi32>], vector<16xf32>,
      %gather3A_379 = tpu.vector_load_idx %arg13[%add3A_301, %broadcast_in_dim3A_377] : memref<512x64xf32, #tpu.memory_space<vmem>>[vector<16xi32>, vector<16xi32>], vector<16xf32>,
      %mul3A_380 = arith.mulf %gather3A_378, %gather3A_379 : vector<16xf32>
      %add3A_381 = arith.addf %add3A_375, %mul3A_380 : vector<16xf32>
      %broadcast_in_dim3A_382 = arith.constant 12 : i32
      %broadcast_in_dim3A_383 = vector.broadcast %broadcast_in_dim3A_382 : i32 to vector<16xi32>
      %gather3A_384 = tpu.vector_load_idx %arg12[%add3A_301, %broadcast_in_dim3A_383] : memref<512x64xf32, #tpu.memory_space<vmem>>[vector<16xi32>, vector<16xi32>], vector<16xf32>,
      %gather3A_385 = tpu.vector_load_idx %arg13[%add3A_301, %broadcast_in_dim3A_383] : memref<512x64xf32, #tpu.memory_space<vmem>>[vector<16xi32>, vector<16xi32>], vector<16xf32>,
      %mul3A_386 = arith.mulf %gather3A_384, %gather3A_385 : vector<16xf32>
      %add3A_387 = arith.addf %add3A_381, %mul3A_386 : vector<16xf32>
      %broadcast_in_dim3A_388 = arith.constant 13 : i32
      %broadcast_in_dim3A_389 = vector.broadcast %broadcast_in_dim3A_388 : i32 to vector<16xi32>
      %gather3A_390 = tpu.vector_load_idx %arg12[%add3A_301, %broadcast_in_dim3A_389] : memref<512x64xf32, #tpu.memory_space<vmem>>[vector<16xi32>, vector<16xi32>], vector<16xf32>,
      %gather3A_391 = tpu.vector_load_idx %arg13[%add3A_301, %broadcast_in_dim3A_389] : memref<512x64xf32, #tpu.memory_space<vmem>>[vector<16xi32>, vector<16xi32>], vector<16xf32>,
      %mul3A_392 = arith.mulf %gather3A_390, %gather3A_391 : vector<16xf32>
      %add3A_393 = arith.addf %add3A_387, %mul3A_392 : vector<16xf32>
      %broadcast_in_dim3A_394 = arith.constant 14 : i32
      %broadcast_in_dim3A_395 = vector.broadcast %broadcast_in_dim3A_394 : i32 to vector<16xi32>
      %gather3A_396 = tpu.vector_load_idx %arg12[%add3A_301, %broadcast_in_dim3A_395] : memref<512x64xf32, #tpu.memory_space<vmem>>[vector<16xi32>, vector<16xi32>], vector<16xf32>,
      %gather3A_397 = tpu.vector_load_idx %arg13[%add3A_301, %broadcast_in_dim3A_395] : memref<512x64xf32, #tpu.memory_space<vmem>>[vector<16xi32>, vector<16xi32>], vector<16xf32>,
      %mul3A_398 = arith.mulf %gather3A_396, %gather3A_397 : vector<16xf32>
      %add3A_399 = arith.addf %add3A_393, %mul3A_398 : vector<16xf32>
      %broadcast_in_dim3A_400 = arith.constant 15 : i32
      %broadcast_in_dim3A_401 = vector.broadcast %broadcast_in_dim3A_400 : i32 to vector<16xi32>
      %gather3A_402 = tpu.vector_load_idx %arg12[%add3A_301, %broadcast_in_dim3A_401] : memref<512x64xf32, #tpu.memory_space<vmem>>[vector<16xi32>, vector<16xi32>], vector<16xf32>,
      %gather3A_403 = tpu.vector_load_idx %arg13[%add3A_301, %broadcast_in_dim3A_401] : memref<512x64xf32, #tpu.memory_space<vmem>>[vector<16xi32>, vector<16xi32>], vector<16xf32>,
      %mul3A_404 = arith.mulf %gather3A_402, %gather3A_403 : vector<16xf32>
      %add3A_405 = arith.addf %add3A_399, %mul3A_404 : vector<16xf32>
      %broadcast_in_dim3A_406 = arith.constant 16 : i32
      %broadcast_in_dim3A_407 = vector.broadcast %broadcast_in_dim3A_406 : i32 to vector<16xi32>
      %gather3A_408 = tpu.vector_load_idx %arg12[%add3A_301, %broadcast_in_dim3A_407] : memref<512x64xf32, #tpu.memory_space<vmem>>[vector<16xi32>, vector<16xi32>], vector<16xf32>,
      %gather3A_409 = tpu.vector_load_idx %arg13[%add3A_301, %broadcast_in_dim3A_407] : memref<512x64xf32, #tpu.memory_space<vmem>>[vector<16xi32>, vector<16xi32>], vector<16xf32>,
      %mul3A_410 = arith.mulf %gather3A_408, %gather3A_409 : vector<16xf32>
      %add3A_411 = arith.addf %add3A_405, %mul3A_410 : vector<16xf32>
      %broadcast_in_dim3A_412 = arith.constant 17 : i32
      %broadcast_in_dim3A_413 = vector.broadcast %broadcast_in_dim3A_412 : i32 to vector<16xi32>
      %gather3A_414 = tpu.vector_load_idx %arg12[%add3A_301, %broadcast_in_dim3A_413] : memref<512x64xf32, #tpu.memory_space<vmem>>[vector<16xi32>, vector<16xi32>], vector<16xf32>,
      %gather3A_415 = tpu.vector_load_idx %arg13[%add3A_301, %broadcast_in_dim3A_413] : memref<512x64xf32, #tpu.memory_space<vmem>>[vector<16xi32>, vector<16xi32>], vector<16xf32>,
      %mul3A_416 = arith.mulf %gather3A_414, %gather3A_415 : vector<16xf32>
      %add3A_417 = arith.addf %add3A_411, %mul3A_416 : vector<16xf32>
      %broadcast_in_dim3A_418 = arith.constant 18 : i32
      %broadcast_in_dim3A_419 = vector.broadcast %broadcast_in_dim3A_418 : i32 to vector<16xi32>
      %gather3A_420 = tpu.vector_load_idx %arg12[%add3A_301, %broadcast_in_dim3A_419] : memref<512x64xf32, #tpu.memory_space<vmem>>[vector<16xi32>, vector<16xi32>], vector<16xf32>,
      %gather3A_421 = tpu.vector_load_idx %arg13[%add3A_301, %broadcast_in_dim3A_419] : memref<512x64xf32, #tpu.memory_space<vmem>>[vector<16xi32>, vector<16xi32>], vector<16xf32>,
      %mul3A_422 = arith.mulf %gather3A_420, %gather3A_421 : vector<16xf32>
      %add3A_423 = arith.addf %add3A_417, %mul3A_422 : vector<16xf32>
      %broadcast_in_dim3A_424 = arith.constant 19 : i32
      %broadcast_in_dim3A_425 = vector.broadcast %broadcast_in_dim3A_424 : i32 to vector<16xi32>
      %gather3A_426 = tpu.vector_load_idx %arg12[%add3A_301, %broadcast_in_dim3A_425] : memref<512x64xf32, #tpu.memory_space<vmem>>[vector<16xi32>, vector<16xi32>], vector<16xf32>,
      %gather3A_427 = tpu.vector_load_idx %arg13[%add3A_301, %broadcast_in_dim3A_425] : memref<512x64xf32, #tpu.memory_space<vmem>>[vector<16xi32>, vector<16xi32>], vector<16xf32>,
      %mul3A_428 = arith.mulf %gather3A_426, %gather3A_427 : vector<16xf32>
      %add3A_429 = arith.addf %add3A_423, %mul3A_428 : vector<16xf32>
      %broadcast_in_dim3A_430 = arith.constant 20 : i32
      %broadcast_in_dim3A_431 = vector.broadcast %broadcast_in_dim3A_430 : i32 to vector<16xi32>
      %gather3A_432 = tpu.vector_load_idx %arg12[%add3A_301, %broadcast_in_dim3A_431] : memref<512x64xf32, #tpu.memory_space<vmem>>[vector<16xi32>, vector<16xi32>], vector<16xf32>,
      %gather3A_433 = tpu.vector_load_idx %arg13[%add3A_301, %broadcast_in_dim3A_431] : memref<512x64xf32, #tpu.memory_space<vmem>>[vector<16xi32>, vector<16xi32>], vector<16xf32>,
      %mul3A_434 = arith.mulf %gather3A_432, %gather3A_433 : vector<16xf32>
      %add3A_435 = arith.addf %add3A_429, %mul3A_434 : vector<16xf32>
      %broadcast_in_dim3A_436 = arith.constant 21 : i32
      %broadcast_in_dim3A_437 = vector.broadcast %broadcast_in_dim3A_436 : i32 to vector<16xi32>
      %gather3A_438 = tpu.vector_load_idx %arg12[%add3A_301, %broadcast_in_dim3A_437] : memref<512x64xf32, #tpu.memory_space<vmem>>[vector<16xi32>, vector<16xi32>], vector<16xf32>,
      %gather3A_439 = tpu.vector_load_idx %arg13[%add3A_301, %broadcast_in_dim3A_437] : memref<512x64xf32, #tpu.memory_space<vmem>>[vector<16xi32>, vector<16xi32>], vector<16xf32>,
      %mul3A_440 = arith.mulf %gather3A_438, %gather3A_439 : vector<16xf32>
      %add3A_441 = arith.addf %add3A_435, %mul3A_440 : vector<16xf32>
      %broadcast_in_dim3A_442 = arith.constant 22 : i32
      %broadcast_in_dim3A_443 = vector.broadcast %broadcast_in_dim3A_442 : i32 to vector<16xi32>
      %gather3A_444 = tpu.vector_load_idx %arg12[%add3A_301, %broadcast_in_dim3A_443] : memref<512x64xf32, #tpu.memory_space<vmem>>[vector<16xi32>, vector<16xi32>], vector<16xf32>,
      %gather3A_445 = tpu.vector_load_idx %arg13[%add3A_301, %broadcast_in_dim3A_443] : memref<512x64xf32, #tpu.memory_space<vmem>>[vector<16xi32>, vector<16xi32>], vector<16xf32>,
      %mul3A_446 = arith.mulf %gather3A_444, %gather3A_445 : vector<16xf32>
      %add3A_447 = arith.addf %add3A_441, %mul3A_446 : vector<16xf32>
      %broadcast_in_dim3A_448 = arith.constant 23 : i32
      %broadcast_in_dim3A_449 = vector.broadcast %broadcast_in_dim3A_448 : i32 to vector<16xi32>
      %gather3A_450 = tpu.vector_load_idx %arg12[%add3A_301, %broadcast_in_dim3A_449] : memref<512x64xf32, #tpu.memory_space<vmem>>[vector<16xi32>, vector<16xi32>], vector<16xf32>,
      %gather3A_451 = tpu.vector_load_idx %arg13[%add3A_301, %broadcast_in_dim3A_449] : memref<512x64xf32, #tpu.memory_space<vmem>>[vector<16xi32>, vector<16xi32>], vector<16xf32>,
      %mul3A_452 = arith.mulf %gather3A_450, %gather3A_451 : vector<16xf32>
      %add3A_453 = arith.addf %add3A_447, %mul3A_452 : vector<16xf32>
      %broadcast_in_dim3A_454 = arith.constant 24 : i32
      %broadcast_in_dim3A_455 = vector.broadcast %broadcast_in_dim3A_454 : i32 to vector<16xi32>
      %gather3A_456 = tpu.vector_load_idx %arg12[%add3A_301, %broadcast_in_dim3A_455] : memref<512x64xf32, #tpu.memory_space<vmem>>[vector<16xi32>, vector<16xi32>], vector<16xf32>,
      %gather3A_457 = tpu.vector_load_idx %arg13[%add3A_301, %broadcast_in_dim3A_455] : memref<512x64xf32, #tpu.memory_space<vmem>>[vector<16xi32>, vector<16xi32>], vector<16xf32>,
      %mul3A_458 = arith.mulf %gather3A_456, %gather3A_457 : vector<16xf32>
      %add3A_459 = arith.addf %add3A_453, %mul3A_458 : vector<16xf32>
      %broadcast_in_dim3A_460 = arith.constant 25 : i32
      %broadcast_in_dim3A_461 = vector.broadcast %broadcast_in_dim3A_460 : i32 to vector<16xi32>
      %gather3A_462 = tpu.vector_load_idx %arg12[%add3A_301, %broadcast_in_dim3A_461] : memref<512x64xf32, #tpu.memory_space<vmem>>[vector<16xi32>, vector<16xi32>], vector<16xf32>,
      %gather3A_463 = tpu.vector_load_idx %arg13[%add3A_301, %broadcast_in_dim3A_461] : memref<512x64xf32, #tpu.memory_space<vmem>>[vector<16xi32>, vector<16xi32>], vector<16xf32>,
      %mul3A_464 = arith.mulf %gather3A_462, %gather3A_463 : vector<16xf32>
      %add3A_465 = arith.addf %add3A_459, %mul3A_464 : vector<16xf32>
      %broadcast_in_dim3A_466 = arith.constant 26 : i32
      %broadcast_in_dim3A_467 = vector.broadcast %broadcast_in_dim3A_466 : i32 to vector<16xi32>
      %gather3A_468 = tpu.vector_load_idx %arg12[%add3A_301, %broadcast_in_dim3A_467] : memref<512x64xf32, #tpu.memory_space<vmem>>[vector<16xi32>, vector<16xi32>], vector<16xf32>,
      %gather3A_469 = tpu.vector_load_idx %arg13[%add3A_301, %broadcast_in_dim3A_467] : memref<512x64xf32, #tpu.memory_space<vmem>>[vector<16xi32>, vector<16xi32>], vector<16xf32>,
      %mul3A_470 = arith.mulf %gather3A_468, %gather3A_469 : vector<16xf32>
      %add3A_471 = arith.addf %add3A_465, %mul3A_470 : vector<16xf32>
      %broadcast_in_dim3A_472 = arith.constant 27 : i32
      %broadcast_in_dim3A_473 = vector.broadcast %broadcast_in_dim3A_472 : i32 to vector<16xi32>
      %gather3A_474 = tpu.vector_load_idx %arg12[%add3A_301, %broadcast_in_dim3A_473] : memref<512x64xf32, #tpu.memory_space<vmem>>[vector<16xi32>, vector<16xi32>], vector<16xf32>,
      %gather3A_475 = tpu.vector_load_idx %arg13[%add3A_301, %broadcast_in_dim3A_473] : memref<512x64xf32, #tpu.memory_space<vmem>>[vector<16xi32>, vector<16xi32>], vector<16xf32>,
      %mul3A_476 = arith.mulf %gather3A_474, %gather3A_475 : vector<16xf32>
      %add3A_477 = arith.addf %add3A_471, %mul3A_476 : vector<16xf32>
      %broadcast_in_dim3A_478 = arith.constant 28 : i32
      %broadcast_in_dim3A_479 = vector.broadcast %broadcast_in_dim3A_478 : i32 to vector<16xi32>
      %gather3A_480 = tpu.vector_load_idx %arg12[%add3A_301, %broadcast_in_dim3A_479] : memref<512x64xf32, #tpu.memory_space<vmem>>[vector<16xi32>, vector<16xi32>], vector<16xf32>,
      %gather3A_481 = tpu.vector_load_idx %arg13[%add3A_301, %broadcast_in_dim3A_479] : memref<512x64xf32, #tpu.memory_space<vmem>>[vector<16xi32>, vector<16xi32>], vector<16xf32>,
      %mul3A_482 = arith.mulf %gather3A_480, %gather3A_481 : vector<16xf32>
      %add3A_483 = arith.addf %add3A_477, %mul3A_482 : vector<16xf32>
      %broadcast_in_dim3A_484 = arith.constant 29 : i32
      %broadcast_in_dim3A_485 = vector.broadcast %broadcast_in_dim3A_484 : i32 to vector<16xi32>
      %gather3A_486 = tpu.vector_load_idx %arg12[%add3A_301, %broadcast_in_dim3A_485] : memref<512x64xf32, #tpu.memory_space<vmem>>[vector<16xi32>, vector<16xi32>], vector<16xf32>,
      %gather3A_487 = tpu.vector_load_idx %arg13[%add3A_301, %broadcast_in_dim3A_485] : memref<512x64xf32, #tpu.memory_space<vmem>>[vector<16xi32>, vector<16xi32>], vector<16xf32>,
      %mul3A_488 = arith.mulf %gather3A_486, %gather3A_487 : vector<16xf32>
      %add3A_489 = arith.addf %add3A_483, %mul3A_488 : vector<16xf32>
      %broadcast_in_dim3A_490 = arith.constant 30 : i32
      %broadcast_in_dim3A_491 = vector.broadcast %broadcast_in_dim3A_490 : i32 to vector<16xi32>
      %gather3A_492 = tpu.vector_load_idx %arg12[%add3A_301, %broadcast_in_dim3A_491] : memref<512x64xf32, #tpu.memory_space<vmem>>[vector<16xi32>, vector<16xi32>], vector<16xf32>,
      %gather3A_493 = tpu.vector_load_idx %arg13[%add3A_301, %broadcast_in_dim3A_491] : memref<512x64xf32, #tpu.memory_space<vmem>>[vector<16xi32>, vector<16xi32>], vector<16xf32>,
      %mul3A_494 = arith.mulf %gather3A_492, %gather3A_493 : vector<16xf32>
      %add3A_495 = arith.addf %add3A_489, %mul3A_494 : vector<16xf32>
      %broadcast_in_dim3A_496 = arith.constant 31 : i32
      %broadcast_in_dim3A_497 = vector.broadcast %broadcast_in_dim3A_496 : i32 to vector<16xi32>
      %gather3A_498 = tpu.vector_load_idx %arg12[%add3A_301, %broadcast_in_dim3A_497] : memref<512x64xf32, #tpu.memory_space<vmem>>[vector<16xi32>, vector<16xi32>], vector<16xf32>,
      %gather3A_499 = tpu.vector_load_idx %arg13[%add3A_301, %broadcast_in_dim3A_497] : memref<512x64xf32, #tpu.memory_space<vmem>>[vector<16xi32>, vector<16xi32>], vector<16xf32>,
      %mul3A_500 = arith.mulf %gather3A_498, %gather3A_499 : vector<16xf32>
      %add3A_501 = arith.addf %add3A_495, %mul3A_500 : vector<16xf32>
      %broadcast_in_dim3A_502 = arith.constant 32 : i32
      %broadcast_in_dim3A_503 = vector.broadcast %broadcast_in_dim3A_502 : i32 to vector<16xi32>
      %gather3A_504 = tpu.vector_load_idx %arg12[%add3A_301, %broadcast_in_dim3A_503] : memref<512x64xf32, #tpu.memory_space<vmem>>[vector<16xi32>, vector<16xi32>], vector<16xf32>,
      %gather3A_505 = tpu.vector_load_idx %arg13[%add3A_301, %broadcast_in_dim3A_503] : memref<512x64xf32, #tpu.memory_space<vmem>>[vector<16xi32>, vector<16xi32>], vector<16xf32>,
      %mul3A_506 = arith.mulf %gather3A_504, %gather3A_505 : vector<16xf32>
      %add3A_507 = arith.addf %add3A_501, %mul3A_506 : vector<16xf32>
      %broadcast_in_dim3A_508 = arith.constant 33 : i32
      %broadcast_in_dim3A_509 = vector.broadcast %broadcast_in_dim3A_508 : i32 to vector<16xi32>
      %gather3A_510 = tpu.vector_load_idx %arg12[%add3A_301, %broadcast_in_dim3A_509] : memref<512x64xf32, #tpu.memory_space<vmem>>[vector<16xi32>, vector<16xi32>], vector<16xf32>,
      %gather3A_511 = tpu.vector_load_idx %arg13[%add3A_301, %broadcast_in_dim3A_509] : memref<512x64xf32, #tpu.memory_space<vmem>>[vector<16xi32>, vector<16xi32>], vector<16xf32>,
      %mul3A_512 = arith.mulf %gather3A_510, %gather3A_511 : vector<16xf32>
      %add3A_513 = arith.addf %add3A_507, %mul3A_512 : vector<16xf32>
      %broadcast_in_dim3A_514 = arith.constant 34 : i32
      %broadcast_in_dim3A_515 = vector.broadcast %broadcast_in_dim3A_514 : i32 to vector<16xi32>
      %gather3A_516 = tpu.vector_load_idx %arg12[%add3A_301, %broadcast_in_dim3A_515] : memref<512x64xf32, #tpu.memory_space<vmem>>[vector<16xi32>, vector<16xi32>], vector<16xf32>,
      %gather3A_517 = tpu.vector_load_idx %arg13[%add3A_301, %broadcast_in_dim3A_515] : memref<512x64xf32, #tpu.memory_space<vmem>>[vector<16xi32>, vector<16xi32>], vector<16xf32>,
      %mul3A_518 = arith.mulf %gather3A_516, %gather3A_517 : vector<16xf32>
      %add3A_519 = arith.addf %add3A_513, %mul3A_518 : vector<16xf32>
      %broadcast_in_dim3A_520 = arith.constant 35 : i32
      %broadcast_in_dim3A_521 = vector.broadcast %broadcast_in_dim3A_520 : i32 to vector<16xi32>
      %gather3A_522 = tpu.vector_load_idx %arg12[%add3A_301, %broadcast_in_dim3A_521] : memref<512x64xf32, #tpu.memory_space<vmem>>[vector<16xi32>, vector<16xi32>], vector<16xf32>,
      %gather3A_523 = tpu.vector_load_idx %arg13[%add3A_301, %broadcast_in_dim3A_521] : memref<512x64xf32, #tpu.memory_space<vmem>>[vector<16xi32>, vector<16xi32>], vector<16xf32>,
      %mul3A_524 = arith.mulf %gather3A_522, %gather3A_523 : vector<16xf32>
      %add3A_525 = arith.addf %add3A_519, %mul3A_524 : vector<16xf32>
      %broadcast_in_dim3A_526 = arith.constant 36 : i32
      %broadcast_in_dim3A_527 = vector.broadcast %broadcast_in_dim3A_526 : i32 to vector<16xi32>
      %gather3A_528 = tpu.vector_load_idx %arg12[%add3A_301, %broadcast_in_dim3A_527] : memref<512x64xf32, #tpu.memory_space<vmem>>[vector<16xi32>, vector<16xi32>], vector<16xf32>,
      %gather3A_529 = tpu.vector_load_idx %arg13[%add3A_301, %broadcast_in_dim3A_527] : memref<512x64xf32, #tpu.memory_space<vmem>>[vector<16xi32>, vector<16xi32>], vector<16xf32>,
      %mul3A_530 = arith.mulf %gather3A_528, %gather3A_529 : vector<16xf32>
      %add3A_531 = arith.addf %add3A_525, %mul3A_530 : vector<16xf32>
      %broadcast_in_dim3A_532 = arith.constant 37 : i32
      %broadcast_in_dim3A_533 = vector.broadcast %broadcast_in_dim3A_532 : i32 to vector<16xi32>
      %gather3A_534 = tpu.vector_load_idx %arg12[%add3A_301, %broadcast_in_dim3A_533] : memref<512x64xf32, #tpu.memory_space<vmem>>[vector<16xi32>, vector<16xi32>], vector<16xf32>,
      %gather3A_535 = tpu.vector_load_idx %arg13[%add3A_301, %broadcast_in_dim3A_533] : memref<512x64xf32, #tpu.memory_space<vmem>>[vector<16xi32>, vector<16xi32>], vector<16xf32>,
      %mul3A_536 = arith.mulf %gather3A_534, %gather3A_535 : vector<16xf32>
      %add3A_537 = arith.addf %add3A_531, %mul3A_536 : vector<16xf32>
      %broadcast_in_dim3A_538 = arith.constant 38 : i32
      %broadcast_in_dim3A_539 = vector.broadcast %broadcast_in_dim3A_538 : i32 to vector<16xi32>
      %gather3A_540 = tpu.vector_load_idx %arg12[%add3A_301, %broadcast_in_dim3A_539] : memref<512x64xf32, #tpu.memory_space<vmem>>[vector<16xi32>, vector<16xi32>], vector<16xf32>,
      %gather3A_541 = tpu.vector_load_idx %arg13[%add3A_301, %broadcast_in_dim3A_539] : memref<512x64xf32, #tpu.memory_space<vmem>>[vector<16xi32>, vector<16xi32>], vector<16xf32>,
      %mul3A_542 = arith.mulf %gather3A_540, %gather3A_541 : vector<16xf32>
      %add3A_543 = arith.addf %add3A_537, %mul3A_542 : vector<16xf32>
      %broadcast_in_dim3A_544 = arith.constant 39 : i32
      %broadcast_in_dim3A_545 = vector.broadcast %broadcast_in_dim3A_544 : i32 to vector<16xi32>
      %gather3A_546 = tpu.vector_load_idx %arg12[%add3A_301, %broadcast_in_dim3A_545] : memref<512x64xf32, #tpu.memory_space<vmem>>[vector<16xi32>, vector<16xi32>], vector<16xf32>,
      %gather3A_547 = tpu.vector_load_idx %arg13[%add3A_301, %broadcast_in_dim3A_545] : memref<512x64xf32, #tpu.memory_space<vmem>>[vector<16xi32>, vector<16xi32>], vector<16xf32>,
      %mul3A_548 = arith.mulf %gather3A_546, %gather3A_547 : vector<16xf32>
      %add3A_549 = arith.addf %add3A_543, %mul3A_548 : vector<16xf32>
      %broadcast_in_dim3A_550 = arith.constant 40 : i32
      %broadcast_in_dim3A_551 = vector.broadcast %broadcast_in_dim3A_550 : i32 to vector<16xi32>
      %gather3A_552 = tpu.vector_load_idx %arg12[%add3A_301, %broadcast_in_dim3A_551] : memref<512x64xf32, #tpu.memory_space<vmem>>[vector<16xi32>, vector<16xi32>], vector<16xf32>,
      %gather3A_553 = tpu.vector_load_idx %arg13[%add3A_301, %broadcast_in_dim3A_551] : memref<512x64xf32, #tpu.memory_space<vmem>>[vector<16xi32>, vector<16xi32>], vector<16xf32>,
      %mul3A_554 = arith.mulf %gather3A_552, %gather3A_553 : vector<16xf32>
      %add3A_555 = arith.addf %add3A_549, %mul3A_554 : vector<16xf32>
      %broadcast_in_dim3A_556 = arith.constant 41 : i32
      %broadcast_in_dim3A_557 = vector.broadcast %broadcast_in_dim3A_556 : i32 to vector<16xi32>
      %gather3A_558 = tpu.vector_load_idx %arg12[%add3A_301, %broadcast_in_dim3A_557] : memref<512x64xf32, #tpu.memory_space<vmem>>[vector<16xi32>, vector<16xi32>], vector<16xf32>,
      %gather3A_559 = tpu.vector_load_idx %arg13[%add3A_301, %broadcast_in_dim3A_557] : memref<512x64xf32, #tpu.memory_space<vmem>>[vector<16xi32>, vector<16xi32>], vector<16xf32>,
      %mul3A_560 = arith.mulf %gather3A_558, %gather3A_559 : vector<16xf32>
      %add3A_561 = arith.addf %add3A_555, %mul3A_560 : vector<16xf32>
      %broadcast_in_dim3A_562 = arith.constant 42 : i32
      %broadcast_in_dim3A_563 = vector.broadcast %broadcast_in_dim3A_562 : i32 to vector<16xi32>
      %gather3A_564 = tpu.vector_load_idx %arg12[%add3A_301, %broadcast_in_dim3A_563] : memref<512x64xf32, #tpu.memory_space<vmem>>[vector<16xi32>, vector<16xi32>], vector<16xf32>,
      %gather3A_565 = tpu.vector_load_idx %arg13[%add3A_301, %broadcast_in_dim3A_563] : memref<512x64xf32, #tpu.memory_space<vmem>>[vector<16xi32>, vector<16xi32>], vector<16xf32>,
      %mul3A_566 = arith.mulf %gather3A_564, %gather3A_565 : vector<16xf32>
      %add3A_567 = arith.addf %add3A_561, %mul3A_566 : vector<16xf32>
      %broadcast_in_dim3A_568 = arith.constant 43 : i32
      %broadcast_in_dim3A_569 = vector.broadcast %broadcast_in_dim3A_568 : i32 to vector<16xi32>
      %gather3A_570 = tpu.vector_load_idx %arg12[%add3A_301, %broadcast_in_dim3A_569] : memref<512x64xf32, #tpu.memory_space<vmem>>[vector<16xi32>, vector<16xi32>], vector<16xf32>,
      %gather3A_571 = tpu.vector_load_idx %arg13[%add3A_301, %broadcast_in_dim3A_569] : memref<512x64xf32, #tpu.memory_space<vmem>>[vector<16xi32>, vector<16xi32>], vector<16xf32>,
      %mul3A_572 = arith.mulf %gather3A_570, %gather3A_571 : vector<16xf32>
      %add3A_573 = arith.addf %add3A_567, %mul3A_572 : vector<16xf32>
      %broadcast_in_dim3A_574 = arith.constant 44 : i32
      %broadcast_in_dim3A_575 = vector.broadcast %broadcast_in_dim3A_574 : i32 to vector<16xi32>
      %gather3A_576 = tpu.vector_load_idx %arg12[%add3A_301, %broadcast_in_dim3A_575] : memref<512x64xf32, #tpu.memory_space<vmem>>[vector<16xi32>, vector<16xi32>], vector<16xf32>,
      %gather3A_577 = tpu.vector_load_idx %arg13[%add3A_301, %broadcast_in_dim3A_575] : memref<512x64xf32, #tpu.memory_space<vmem>>[vector<16xi32>, vector<16xi32>], vector<16xf32>,
      %mul3A_578 = arith.mulf %gather3A_576, %gather3A_577 : vector<16xf32>
      %add3A_579 = arith.addf %add3A_573, %mul3A_578 : vector<16xf32>
      %broadcast_in_dim3A_580 = arith.constant 45 : i32
      %broadcast_in_dim3A_581 = vector.broadcast %broadcast_in_dim3A_580 : i32 to vector<16xi32>
      %gather3A_582 = tpu.vector_load_idx %arg12[%add3A_301, %broadcast_in_dim3A_581] : memref<512x64xf32, #tpu.memory_space<vmem>>[vector<16xi32>, vector<16xi32>], vector<16xf32>,
      %gather3A_583 = tpu.vector_load_idx %arg13[%add3A_301, %broadcast_in_dim3A_581] : memref<512x64xf32, #tpu.memory_space<vmem>>[vector<16xi32>, vector<16xi32>], vector<16xf32>,
      %mul3A_584 = arith.mulf %gather3A_582, %gather3A_583 : vector<16xf32>
      %add3A_585 = arith.addf %add3A_579, %mul3A_584 : vector<16xf32>
      %broadcast_in_dim3A_586 = arith.constant 46 : i32
      %broadcast_in_dim3A_587 = vector.broadcast %broadcast_in_dim3A_586 : i32 to vector<16xi32>
      %gather3A_588 = tpu.vector_load_idx %arg12[%add3A_301, %broadcast_in_dim3A_587] : memref<512x64xf32, #tpu.memory_space<vmem>>[vector<16xi32>, vector<16xi32>], vector<16xf32>,
      %gather3A_589 = tpu.vector_load_idx %arg13[%add3A_301, %broadcast_in_dim3A_587] : memref<512x64xf32, #tpu.memory_space<vmem>>[vector<16xi32>, vector<16xi32>], vector<16xf32>,
      %mul3A_590 = arith.mulf %gather3A_588, %gather3A_589 : vector<16xf32>
      %add3A_591 = arith.addf %add3A_585, %mul3A_590 : vector<16xf32>
      %broadcast_in_dim3A_592 = arith.constant 47 : i32
      %broadcast_in_dim3A_593 = vector.broadcast %broadcast_in_dim3A_592 : i32 to vector<16xi32>
      %gather3A_594 = tpu.vector_load_idx %arg12[%add3A_301, %broadcast_in_dim3A_593] : memref<512x64xf32, #tpu.memory_space<vmem>>[vector<16xi32>, vector<16xi32>], vector<16xf32>,
      %gather3A_595 = tpu.vector_load_idx %arg13[%add3A_301, %broadcast_in_dim3A_593] : memref<512x64xf32, #tpu.memory_space<vmem>>[vector<16xi32>, vector<16xi32>], vector<16xf32>,
      %mul3A_596 = arith.mulf %gather3A_594, %gather3A_595 : vector<16xf32>
      %add3A_597 = arith.addf %add3A_591, %mul3A_596 : vector<16xf32>
      %broadcast_in_dim3A_598 = arith.constant 48 : i32
      %broadcast_in_dim3A_599 = vector.broadcast %broadcast_in_dim3A_598 : i32 to vector<16xi32>
      %gather3A_600 = tpu.vector_load_idx %arg12[%add3A_301, %broadcast_in_dim3A_599] : memref<512x64xf32, #tpu.memory_space<vmem>>[vector<16xi32>, vector<16xi32>], vector<16xf32>,
      %gather3A_601 = tpu.vector_load_idx %arg13[%add3A_301, %broadcast_in_dim3A_599] : memref<512x64xf32, #tpu.memory_space<vmem>>[vector<16xi32>, vector<16xi32>], vector<16xf32>,
      %mul3A_602 = arith.mulf %gather3A_600, %gather3A_601 : vector<16xf32>
      %add3A_603 = arith.addf %add3A_597, %mul3A_602 : vector<16xf32>
      %broadcast_in_dim3A_604 = arith.constant 49 : i32
      %broadcast_in_dim3A_605 = vector.broadcast %broadcast_in_dim3A_604 : i32 to vector<16xi32>
      %gather3A_606 = tpu.vector_load_idx %arg12[%add3A_301, %broadcast_in_dim3A_605] : memref<512x64xf32, #tpu.memory_space<vmem>>[vector<16xi32>, vector<16xi32>], vector<16xf32>,
      %gather3A_607 = tpu.vector_load_idx %arg13[%add3A_301, %broadcast_in_dim3A_605] : memref<512x64xf32, #tpu.memory_space<vmem>>[vector<16xi32>, vector<16xi32>], vector<16xf32>,
      %mul3A_608 = arith.mulf %gather3A_606, %gather3A_607 : vector<16xf32>
      %add3A_609 = arith.addf %add3A_603, %mul3A_608 : vector<16xf32>
      %broadcast_in_dim3A_610 = arith.constant 50 : i32
      %broadcast_in_dim3A_611 = vector.broadcast %broadcast_in_dim3A_610 : i32 to vector<16xi32>
      %gather3A_612 = tpu.vector_load_idx %arg12[%add3A_301, %broadcast_in_dim3A_611] : memref<512x64xf32, #tpu.memory_space<vmem>>[vector<16xi32>, vector<16xi32>], vector<16xf32>,
      %gather3A_613 = tpu.vector_load_idx %arg13[%add3A_301, %broadcast_in_dim3A_611] : memref<512x64xf32, #tpu.memory_space<vmem>>[vector<16xi32>, vector<16xi32>], vector<16xf32>,
      %mul3A_614 = arith.mulf %gather3A_612, %gather3A_613 : vector<16xf32>
      %add3A_615 = arith.addf %add3A_609, %mul3A_614 : vector<16xf32>
      %broadcast_in_dim3A_616 = arith.constant 51 : i32
      %broadcast_in_dim3A_617 = vector.broadcast %broadcast_in_dim3A_616 : i32 to vector<16xi32>
      %gather3A_618 = tpu.vector_load_idx %arg12[%add3A_301, %broadcast_in_dim3A_617] : memref<512x64xf32, #tpu.memory_space<vmem>>[vector<16xi32>, vector<16xi32>], vector<16xf32>,
      %gather3A_619 = tpu.vector_load_idx %arg13[%add3A_301, %broadcast_in_dim3A_617] : memref<512x64xf32, #tpu.memory_space<vmem>>[vector<16xi32>, vector<16xi32>], vector<16xf32>,
      %mul3A_620 = arith.mulf %gather3A_618, %gather3A_619 : vector<16xf32>
      %add3A_621 = arith.addf %add3A_615, %mul3A_620 : vector<16xf32>
      %broadcast_in_dim3A_622 = arith.constant 52 : i32
      %broadcast_in_dim3A_623 = vector.broadcast %broadcast_in_dim3A_622 : i32 to vector<16xi32>
      %gather3A_624 = tpu.vector_load_idx %arg12[%add3A_301, %broadcast_in_dim3A_623] : memref<512x64xf32, #tpu.memory_space<vmem>>[vector<16xi32>, vector<16xi32>], vector<16xf32>,
      %gather3A_625 = tpu.vector_load_idx %arg13[%add3A_301, %broadcast_in_dim3A_623] : memref<512x64xf32, #tpu.memory_space<vmem>>[vector<16xi32>, vector<16xi32>], vector<16xf32>,
      %mul3A_626 = arith.mulf %gather3A_624, %gather3A_625 : vector<16xf32>
      %add3A_627 = arith.addf %add3A_621, %mul3A_626 : vector<16xf32>
      %broadcast_in_dim3A_628 = arith.constant 53 : i32
      %broadcast_in_dim3A_629 = vector.broadcast %broadcast_in_dim3A_628 : i32 to vector<16xi32>
      %gather3A_630 = tpu.vector_load_idx %arg12[%add3A_301, %broadcast_in_dim3A_629] : memref<512x64xf32, #tpu.memory_space<vmem>>[vector<16xi32>, vector<16xi32>], vector<16xf32>,
      %gather3A_631 = tpu.vector_load_idx %arg13[%add3A_301, %broadcast_in_dim3A_629] : memref<512x64xf32, #tpu.memory_space<vmem>>[vector<16xi32>, vector<16xi32>], vector<16xf32>,
      %mul3A_632 = arith.mulf %gather3A_630, %gather3A_631 : vector<16xf32>
      %add3A_633 = arith.addf %add3A_627, %mul3A_632 : vector<16xf32>
      %broadcast_in_dim3A_634 = arith.constant 54 : i32
      %broadcast_in_dim3A_635 = vector.broadcast %broadcast_in_dim3A_634 : i32 to vector<16xi32>
      %gather3A_636 = tpu.vector_load_idx %arg12[%add3A_301, %broadcast_in_dim3A_635] : memref<512x64xf32, #tpu.memory_space<vmem>>[vector<16xi32>, vector<16xi32>], vector<16xf32>,
      %gather3A_637 = tpu.vector_load_idx %arg13[%add3A_301, %broadcast_in_dim3A_635] : memref<512x64xf32, #tpu.memory_space<vmem>>[vector<16xi32>, vector<16xi32>], vector<16xf32>,
      %mul3A_638 = arith.mulf %gather3A_636, %gather3A_637 : vector<16xf32>
      %add3A_639 = arith.addf %add3A_633, %mul3A_638 : vector<16xf32>
      %broadcast_in_dim3A_640 = arith.constant 55 : i32
      %broadcast_in_dim3A_641 = vector.broadcast %broadcast_in_dim3A_640 : i32 to vector<16xi32>
      %gather3A_642 = tpu.vector_load_idx %arg12[%add3A_301, %broadcast_in_dim3A_641] : memref<512x64xf32, #tpu.memory_space<vmem>>[vector<16xi32>, vector<16xi32>], vector<16xf32>,
      %gather3A_643 = tpu.vector_load_idx %arg13[%add3A_301, %broadcast_in_dim3A_641] : memref<512x64xf32, #tpu.memory_space<vmem>>[vector<16xi32>, vector<16xi32>], vector<16xf32>,
      %mul3A_644 = arith.mulf %gather3A_642, %gather3A_643 : vector<16xf32>
      %add3A_645 = arith.addf %add3A_639, %mul3A_644 : vector<16xf32>
      %broadcast_in_dim3A_646 = arith.constant 56 : i32
      %broadcast_in_dim3A_647 = vector.broadcast %broadcast_in_dim3A_646 : i32 to vector<16xi32>
      %gather3A_648 = tpu.vector_load_idx %arg12[%add3A_301, %broadcast_in_dim3A_647] : memref<512x64xf32, #tpu.memory_space<vmem>>[vector<16xi32>, vector<16xi32>], vector<16xf32>,
      %gather3A_649 = tpu.vector_load_idx %arg13[%add3A_301, %broadcast_in_dim3A_647] : memref<512x64xf32, #tpu.memory_space<vmem>>[vector<16xi32>, vector<16xi32>], vector<16xf32>,
      %mul3A_650 = arith.mulf %gather3A_648, %gather3A_649 : vector<16xf32>
      %add3A_651 = arith.addf %add3A_645, %mul3A_650 : vector<16xf32>
      %broadcast_in_dim3A_652 = arith.constant 57 : i32
      %broadcast_in_dim3A_653 = vector.broadcast %broadcast_in_dim3A_652 : i32 to vector<16xi32>
      %gather3A_654 = tpu.vector_load_idx %arg12[%add3A_301, %broadcast_in_dim3A_653] : memref<512x64xf32, #tpu.memory_space<vmem>>[vector<16xi32>, vector<16xi32>], vector<16xf32>,
      %gather3A_655 = tpu.vector_load_idx %arg13[%add3A_301, %broadcast_in_dim3A_653] : memref<512x64xf32, #tpu.memory_space<vmem>>[vector<16xi32>, vector<16xi32>], vector<16xf32>,
      %mul3A_656 = arith.mulf %gather3A_654, %gather3A_655 : vector<16xf32>
      %add3A_657 = arith.addf %add3A_651, %mul3A_656 : vector<16xf32>
      %broadcast_in_dim3A_658 = arith.constant 58 : i32
      %broadcast_in_dim3A_659 = vector.broadcast %broadcast_in_dim3A_658 : i32 to vector<16xi32>
      %gather3A_660 = tpu.vector_load_idx %arg12[%add3A_301, %broadcast_in_dim3A_659] : memref<512x64xf32, #tpu.memory_space<vmem>>[vector<16xi32>, vector<16xi32>], vector<16xf32>,
      %gather3A_661 = tpu.vector_load_idx %arg13[%add3A_301, %broadcast_in_dim3A_659] : memref<512x64xf32, #tpu.memory_space<vmem>>[vector<16xi32>, vector<16xi32>], vector<16xf32>,
      %mul3A_662 = arith.mulf %gather3A_660, %gather3A_661 : vector<16xf32>
      %add3A_663 = arith.addf %add3A_657, %mul3A_662 : vector<16xf32>
      %broadcast_in_dim3A_664 = arith.constant 59 : i32
      %broadcast_in_dim3A_665 = vector.broadcast %broadcast_in_dim3A_664 : i32 to vector<16xi32>
      %gather3A_666 = tpu.vector_load_idx %arg12[%add3A_301, %broadcast_in_dim3A_665] : memref<512x64xf32, #tpu.memory_space<vmem>>[vector<16xi32>, vector<16xi32>], vector<16xf32>,
      %gather3A_667 = tpu.vector_load_idx %arg13[%add3A_301, %broadcast_in_dim3A_665] : memref<512x64xf32, #tpu.memory_space<vmem>>[vector<16xi32>, vector<16xi32>], vector<16xf32>,
      %mul3A_668 = arith.mulf %gather3A_666, %gather3A_667 : vector<16xf32>
      %add3A_669 = arith.addf %add3A_663, %mul3A_668 : vector<16xf32>
      %broadcast_in_dim3A_670 = arith.constant 60 : i32
      %broadcast_in_dim3A_671 = vector.broadcast %broadcast_in_dim3A_670 : i32 to vector<16xi32>
      %gather3A_672 = tpu.vector_load_idx %arg12[%add3A_301, %broadcast_in_dim3A_671] : memref<512x64xf32, #tpu.memory_space<vmem>>[vector<16xi32>, vector<16xi32>], vector<16xf32>,
      %gather3A_673 = tpu.vector_load_idx %arg13[%add3A_301, %broadcast_in_dim3A_671] : memref<512x64xf32, #tpu.memory_space<vmem>>[vector<16xi32>, vector<16xi32>], vector<16xf32>,
      %mul3A_674 = arith.mulf %gather3A_672, %gather3A_673 : vector<16xf32>
      %add3A_675 = arith.addf %add3A_669, %mul3A_674 : vector<16xf32>
      %broadcast_in_dim3A_676 = arith.constant 61 : i32
      %broadcast_in_dim3A_677 = vector.broadcast %broadcast_in_dim3A_676 : i32 to vector<16xi32>
      %gather3A_678 = tpu.vector_load_idx %arg12[%add3A_301, %broadcast_in_dim3A_677] : memref<512x64xf32, #tpu.memory_space<vmem>>[vector<16xi32>, vector<16xi32>], vector<16xf32>,
      %gather3A_679 = tpu.vector_load_idx %arg13[%add3A_301, %broadcast_in_dim3A_677] : memref<512x64xf32, #tpu.memory_space<vmem>>[vector<16xi32>, vector<16xi32>], vector<16xf32>,
      %mul3A_680 = arith.mulf %gather3A_678, %gather3A_679 : vector<16xf32>
      %add3A_681 = arith.addf %add3A_675, %mul3A_680 : vector<16xf32>
      %broadcast_in_dim3A_682 = arith.constant 62 : i32
      %broadcast_in_dim3A_683 = vector.broadcast %broadcast_in_dim3A_682 : i32 to vector<16xi32>
      %gather3A_684 = tpu.vector_load_idx %arg12[%add3A_301, %broadcast_in_dim3A_683] : memref<512x64xf32, #tpu.memory_space<vmem>>[vector<16xi32>, vector<16xi32>], vector<16xf32>,
      %gather3A_685 = tpu.vector_load_idx %arg13[%add3A_301, %broadcast_in_dim3A_683] : memref<512x64xf32, #tpu.memory_space<vmem>>[vector<16xi32>, vector<16xi32>], vector<16xf32>,
      %mul3A_686 = arith.mulf %gather3A_684, %gather3A_685 : vector<16xf32>
      %add3A_687 = arith.addf %add3A_681, %mul3A_686 : vector<16xf32>
      %broadcast_in_dim3A_688 = arith.constant 63 : i32
      %broadcast_in_dim3A_689 = vector.broadcast %broadcast_in_dim3A_688 : i32 to vector<16xi32>
      %gather3A_690 = tpu.vector_load_idx %arg12[%add3A_301, %broadcast_in_dim3A_689] : memref<512x64xf32, #tpu.memory_space<vmem>>[vector<16xi32>, vector<16xi32>], vector<16xf32>,
      %gather3A_691 = tpu.vector_load_idx %arg13[%add3A_301, %broadcast_in_dim3A_689] : memref<512x64xf32, #tpu.memory_space<vmem>>[vector<16xi32>, vector<16xi32>], vector<16xf32>,
      %mul3A_692 = arith.mulf %gather3A_690, %gather3A_691 : vector<16xf32>
      %add3A_693 = arith.addf %add3A_687, %mul3A_692 : vector<16xf32>
      %mul3A_694 = arith.constant 16 : i32
      %mul3A_695 = arith.muli %scan3A_297, %mul3A_694 : i32
      %swap3A = arith.index_cast %mul3A_695 : i32 to index
      %swap3A_696 = tpu.vector_load %arg17[%swap3A] {strides = array<i32>} : memref<512xf32, #tpu.memory_space<vmem>>, vector<16xf32>,
      tpu.vector_store %arg17[%swap3A], %add3A_693 {strides = array<i32>} : memref<512xf32, #tpu.memory_space<vmem>>, vector<16xf32>,
    }
    %scan3A_294 = arith.constant 32 : i32
    %mul3A_295 = arith.constant 512 : i32
    %mul3A_296 = arith.muli %add3A, %mul3A_295 : i32
    "tpu.region"() ({
      %run_scoped3A = tpu.sem_alloc : memref<!tpu.dma_semaphore, #tpu.memory_space<semaphore_mem>>
      %dma_start3A_297 = tpu.memref_slice %arg9[%mul3A_296] : memref<16384xf32, #tpu.memory_space<hbm>> -> memref<512xf32, #tpu.memory_space<hbm>>
      %dma_start3A_298 = tpu.memref_slice %arg9[%mul3A_296] : memref<16384xf32, #tpu.memory_space<hbm>> -> memref<512xf32, #tpu.memory_space<hbm>>
      tpu.enqueue_dma source(%arg17 : memref<512xf32, #tpu.memory_space<vmem>>) target(%dma_start3A_298 : memref<512xf32, #tpu.memory_space<hbm>>) target_semaphore(%run_scoped3A : memref<!tpu.dma_semaphore, #tpu.memory_space<semaphore_mem>>)
      %dma_wait3A_299 = tpu.memref_slice %arg9[%mul3A_296] : memref<16384xf32, #tpu.memory_space<hbm>> -> memref<512xf32, #tpu.memory_space<hbm>>
      %dma_wait3A_300 = tpu.memref_slice %arg9[%mul3A_296] : memref<16384xf32, #tpu.memory_space<hbm>> -> memref<512xf32, #tpu.memory_space<hbm>>
      tpu.wait_dma2 semaphore(%run_scoped3A : memref<!tpu.dma_semaphore, #tpu.memory_space<semaphore_mem>>) src(%arg17 : memref<512xf32, #tpu.memory_space<vmem>>) dst(%dma_wait3A_300 : memref<512xf32, #tpu.memory_space<hbm>>)
      tpu.yield
    }) : () -> ()
    return
  }
}

</mosaic_0001>

<sc_bundles>
// kernel: _mf.3.cloned.1.call-start
scs
__scs_entry_jumppad:
0x0: {  	(pc) =	sbr.rel $0x88, $3  }
0x1: {  	(tag) =	ssettag $0x0;
	lr =	simm.s32 $0x1  }
0x2: {  	[smem:$0x3F9A] =	sst lr;
	_ =	strace $0xD0000000  }
0x3: {  	_ = 	snop  }
0x4: {  	_ = 	snop  }
0x5: {  	_ = 	snop  }
0x6: {  	_ = 	snop  }
0x7: {  	_ = 	snop  }
__scs_overlays_trampoline_lowered:
0x8: {  	[smem:$0x3FA9] =	sst s0  }
0x9: {  	[smem:$0x3FAA] =	sst s1  }
0xa: {  	[smem:$0x3FAB] =	sst s2  }
0xb: {  	[smem:$0x3FAC] =	sst s3  }
0xc: {  	[smem:$0x3FAD] =	sst s4  }
0xd: {  	[smem:$0x3FAE] =	sst s5  }
0xe: {  	[smem:$0x3FAF] =	sst s6  }
0xf: {  	[smem:$0x3FB0] =	sst s7  }
0x10: {  	[smem:$0x3FB1] =	sst s8  }
0x11: {  	[smem:$0x3FB2] =	sst s9;
	s0 =	simm.s32 @!p0 $0x0  }
0x12: {  	s1 =	sld [smem:$0x3F98];
	s0 =	simm.s32 @p0 $0x1  }
0x13: {  	[smem:$0x3FB3] =	sst s0;
	s0 =	simm.s32 @!p1 $0x0  }
0x14: {  	s2 =	sld [smem:$0x3F97];
	s0 =	simm.s32 @p1 $0x1  }
0x15: {  	[smem:$0x3FB4] =	sst s0;
	s0 =	simm.s32 @!p2 $0x0  }
0x16: {  	s3 =	sld [smem:$0x3FDB];
	s0 =	simm.s32 @p2 $0x1  }
0x17: {  	s4 =	simm.s32 $0x1BF5;
	[smem:$0x3FB6] =	sst s0  }
0x18: {  	s0 =	sld [smem:$0x3F99];
	_ =	swait.ge [sflag:s4], $0x0  }
0x19: {  	s7 =	sld [smem:$0x3F9A]  }
0x1a: {  	s8 =	sadd.s32 $0xFFFFE003, lr  }
0x1b: {  	s9 =	sadd.s32 $0xFFFFFEF7, lr;
	s5 =	simm.s32 $0xFFFFFFFF;
	p2 =	slt.u32 s8, $0xFFFFF086  }
0x1c: {  	p1 =	slt.u32 s9, $0xF7A;
	s5 =	simm.s32 @!p2 $0x0  }
0x1d: {  	s5 =	simm.s32 @p1 $0x1;
	p0 =	seq.s32 s7, s2  }
0x1e: {  	s7 =	smul.u32 @!p0 $0xF7A, s2;
	p2 =	seq.s32 @!p0 s5, $0x0  }
0x1f: {  	s9 =	smul.u32 $0xF7A, s1;
	s8 =	simm.s32 @!p0 $0x1BF5;
	p2 =	por !p2, p0  }
0x20: {  	[sflag:s8] =	ssyncset.s32 @!p0 $0xFFFFF086;
	s6 =	sadd.s32 @!p0 s3, s7;
	s7 =	simm.s32 @!p0 $0x108  }
0x21: {  	s3 =	sadd.s32 s3, s9;
	s6 =	sadd.s32 @!p0 $0x88, s6;
	s7 =	simm.s32 @p2 $0x1082  }
0x22: {  	[simem:s7], [sflag:s8] =	dma.local @!p0 [hbm:s6], $0xF7A  }
0x23: {  	s9 =	sor.u32 $0xD0000000, s2;
	s6 =	simm.s32 $0x108;
	_ =	swait.ge @!p0 [sflag:s8], $0x0  }
0x24: {  	s3 =	sadd.s32 $0x88, s3;
	s6 =	simm.s32 @!p1 $0x1082;
	[sflag:s4] =	ssyncset.s32 $0xFFFFF086  }
0x25: {  	[simem:s6], [sflag:s4] =	dma.local [hbm:s3], $0xF7A  }
0x26: {  	[smem:$0x3F9A] =	sst s1;
	(tag) =	ssettag s2;
	_ =	strace s9  }
0x27: {  	s1 =	sld [smem:$0x3FAA]  }
0x28: {  	s2 =	sld [smem:$0x3FAB]  }
0x29: {  	s4 =	sld [smem:$0x3FAD]  }
0x2a: {  	p0 =	seq.s32 s5, $0x0;
	s5 =	sld [smem:$0x3FAE]  }
0x2b: {  	s6 =	sld [smem:$0x3FAF]  }
0x2c: {  	s7 =	sld [smem:$0x3FB0]  }
0x2d: {  	s3 =	simm.s32 $0x108;
	s8 =	sld [smem:$0x3FB1]  }
0x2e: {  	s3 =	simm.s32 @!p0 $0x1082;
	s9 =	sld [smem:$0x3FB2]  }
0x2f: {  	lr =	sadd.s32 s0, s3;
	s0 =	sld [smem:$0x3FA9]  }
0x30: {  	s3 =	sld [smem:$0x3FAC]  }
0x31: {  	[smem:$0x3FB5] =	sst s10  }
0x32: {  	s10 =	sld [smem:$0x3FB3];
	_ =	sdelay $0x3  }
0x33: {  	p0 =	seq.s32 s10, $0x1;
	s10 =	sld [smem:$0x3FB5];
	_ =	sdelay $0x3  }
0x34: {  	[smem:$0x3FB5] =	sst s10  }
0x35: {  	s10 =	sld [smem:$0x3FB4];
	_ =	sdelay $0x3  }
0x36: {  	p1 =	seq.s32 s10, $0x1;
	s10 =	sld [smem:$0x3FB5];
	_ =	sdelay $0x3  }
0x37: {  	[smem:$0x3FB5] =	sst s10  }
0x38: {  	s10 =	sld [smem:$0x3FB6]  }
0x39: {  	_ = 	snop;
	(pc) =	sbr.ind lr, $3  }
0x3a: {  	_ = 	snop  }
0x3b: {  	_ = 	snop  }
0x3c: {  	p2 =	seq.s32 s10, $0x1;
	s10 =	sld [smem:$0x3FB5]  }
0x3d: {  	_ =	shalt  }
0x3e: {  	_ =	shalt  }
0x3f: {  	_ =	shalt  }
0x40: {  	_ =	shalt  }
0x41: {  	_ =	shalt  }
0x42: {  	_ =	shalt  }
0x43: {  	_ =	shalt  }
0x44: {  	_ =	shalt  }
0x45: {  	_ =	shalt  }
0x46: {  	_ =	shalt  }
0x47: {  	_ =	shalt  }
0x48: {  	_ =	shalt  }
0x49: {  	_ =	shalt  }
0x4a: {  	_ =	shalt  }
0x4b: {  	_ =	shalt  }
0x4c: {  	_ =	shalt  }
0x4d: {  	_ =	shalt  }
0x4e: {  	_ =	shalt  }
0x4f: {  	_ =	shalt  }
0x50: {  	_ =	shalt  }
0x51: {  	_ =	shalt  }
0x52: {  	_ =	shalt  }
0x53: {  	_ =	shalt  }
0x54: {  	_ =	shalt  }
0x55: {  	_ =	shalt  }
0x56: {  	_ =	shalt  }
0x57: {  	_ =	shalt  }
0x58: {  	_ =	shalt  }
0x59: {  	_ =	shalt  }
0x5a: {  	_ =	shalt  }
0x5b: {  	_ =	shalt  }
0x5c: {  	_ =	shalt  }
0x5d: {  	_ =	shalt  }
0x5e: {  	_ =	shalt  }
0x5f: {  	_ =	shalt  }
0x60: {  	_ =	shalt  }
0x61: {  	_ =	shalt  }
0x62: {  	_ =	shalt  }
0x63: {  	_ =	shalt  }
0x64: {  	_ =	shalt  }
0x65: {  	_ =	shalt  }
0x66: {  	_ =	shalt  }
0x67: {  	_ =	shalt  }
0x68: {  	_ =	shalt  }
0x69: {  	_ =	shalt  }
0x6a: {  	_ =	shalt  }
0x6b: {  	_ =	shalt  }
0x6c: {  	_ =	shalt  }
0x6d: {  	_ =	shalt  }
0x6e: {  	_ =	shalt  }
0x6f: {  	_ =	shalt  }
0x70: {  	_ =	shalt  }
0x71: {  	_ =	shalt  }
0x72: {  	_ =	shalt  }
0x73: {  	_ =	shalt  }
0x74: {  	_ =	shalt  }
0x75: {  	_ =	shalt  }
0x76: {  	_ =	shalt  }
0x77: {  	_ =	shalt  }
0x78: {  	_ =	shalt  }
0x79: {  	_ =	shalt  }
0x7a: {  	_ =	shalt  }
0x7b: {  	_ =	shalt  }
0x7c: {  	_ =	shalt  }
0x7d: {  	_ =	shalt  }
0x7e: {  	_ =	shalt  }
0x7f: {  	_ =	shalt  }
0x80: {  	_ =	shalt  }
0x81: {  	_ =	shalt  }
0x82: {  	_ =	shalt  }
0x83: {  	_ =	shalt  }
0x84: {  	_ =	shalt  }
0x85: {  	_ =	shalt  }
0x86: {  	_ =	shalt  }
0x87: {  	_ =	shalt  }
.Lfunc_end0:
.L_simem_size_0:
called_computation_lowered:
.L_overlay_start_0:
0x88: {  	s2 =	sld [smem:$0x3FD9]  }
0x89: {  	s3 =	sld [smem:$0x3FFE];
	_ =	sdelay $0x1  }
0x8a: {  	s1 =	srdreg.scid  }
0x8b: {  	s0 =	sand.u32 $0x1, s1  }
0x8c: {  	s17 =	sshll.u32 s0, $0xA;
	s2 =	sadd.s32 s3, s2  }
0x8d: {  	s2 =	sadd.s32 s2, s17  }
0x8e: {  	[smem:$0x3FC1] =	sst s2  }
0x8f: {  	_ = 	snop  }
0x90: {  	s2 =	sld [smem:$0x3FC9]  }
0x91: {  	s18 =	sld [smem:$0x3FC8]  }
0x92: {  	s4 =	sld [smem:$0x3FC5]  }
0x93: {  	s5 =	sld [smem:$0x3FC4]  }
0x94: {  	s6 =	sld [smem:$0x3FC3]  }
0x95: {  	s7 =	sld [smem:$0x3FD0];
	(tm) =	ssettm $0x1  }
0x96: {  	s8 =	sld [smem:$0x3FFB];
	_ =	sdelay $0x3  }
0x97: {  	_ =	strace s8  }
0x98: {  	s8 =	sld [smem:$0x3FFC];
	_ =	sdelay $0x3  }
0x99: {  	_ =	strace s8  }
0x9a: {  	s8 =	sld [smem:$0x3FFD];
	_ =	sdelay $0x3  }
0x9b: {  	_ =	strace s8  }
0x9c: {  	_ =	strace $0x8FFFFFFF  }
0x9d: {  	s19 =	sld [smem:$0x3FDB];
	_ =	sdelay $0x1  }
0x9e: {  	s9 =	simm.s32 $_scs_section_size  }
0x9f: {  	s10 =	simm.s32 $_size__tile_overlayer_lowered;
	s11 =	simm.s32 $_tile_overlayer_lowered  }
0xa0: {  	s22 =	simm.s32 $0x1BFF;
	s21 =	sshll.u32 s11, $0x1;
	s8 =	sadd.s32 s9, s19  }
0xa1: {  	s12 =	simm.s32 $0x0;
	s20 =	sshll.u32 s10, $0x1;
	s10 =	sadd.s32 s21, s8  }
0xa2: {  	[timem:s12], [sflag:s22] =	dma.local [hbm:s10], s20  }
0xa3: {  	_ =	swait.ge [sflag:s22], s20  }
0xa4: {  	s9 =	ssub.s32 $0x0, s20;
	[sflag:s22] =	ssyncset.done $0x0  }
0xa5: {  	[sflag:s22] =	ssyncadd.s32 s9;
	_ =	sdelay $0x1  }
0xa6: {  	s23 =	simm.s32 $0x1B8B  }
0xa7: {  	_ =	swait.ge [sflag:s23], $0x1  }
0xa8: {  	[sflag:s23] =	ssyncset.done $0x0  }
0xa9: {  	s25 =	simm.s32 $0x1B8E;
	s24 =	sld [smem:$0x3FFE];
	[sflag:s23] =	ssyncadd.s32 $0xFFFFFFFF  }
0xaa: {  	s26 =	simm.s32 $execute0_lowered;
	[smem:$0x3FD2] =	sst s25  }
0xab: {  	s10 =	sshll.u32 s26, $0x1;
	_ =	strace $0x80000046;
	[dreg:$0x1] =	wrdreg $0xFFFFFFFF  }
0xac: {  	s28 =	simm.s32 $_size_execute0_lowered;
	s8 =	sadd.s32 s8, s10;
	[dreg:$0x0] =	wrdreg $0x0  }
0xad: {  	s10 =	sshll.u32 s28, $0x1;
	[dreg:$0x2] =	wrdreg s8  }
0xae: {  	[dreg:$0x3] =	wrdreg s10  }
0xaf: {  	[dreg:$0x4] =	wrdreg $0xC0  }
0xb0: {  	_ =	task [dreg:s12], $0x5FFFF  }
0xb1: {  	[dreg:$0x1] =	wrdreg $0xFFFFFFFF  }
0xb2: {  	[dreg:$0x0] =	wrdreg $0x60  }
0xb3: {  	[dreg:$0x2] =	wrdreg s2  }
0xb4: {  	[dreg:$0x3] =	wrdreg s18  }
0xb5: {  	[dreg:$0x4] =	wrdreg s24  }
0xb6: {  	[dreg:$0x5] =	wrdreg s4  }
0xb7: {  	[dreg:$0x6] =	wrdreg s5  }
0xb8: {  	[dreg:$0x7] =	wrdreg s6  }
0xb9: {  	[dreg:$0x8] =	wrdreg s7  }
0xba: {  	[dreg:$0x9] =	wrdreg $0x9  }
0xbb: {  	_ =	task.clear_ibuf [dreg:s12], $0xAFFFF;
	_ =	strace $0x90000046  }
0xbc: {  	s29 =	simm.s32 $0x9;
	_ =	strace $0x80000048  }
0xbd: {  	_ =	swait.ge [sflag:s29], $0x1  }
0xbe: {  	[sflag:s29] =	ssyncadd.s32 $0xFFFFFFFF  }
0xbf: {  	_ =	strace $0x90000048  }
0xc0: {  	_ =	sfence  }
0xc1: {  	s30 =	sld [smem:$0x0];
	_ =	sdelay $0x2  }
0xc2: {  	s31 =	sshll.u32 s1, $0xD;
	s1 =	sshrl.u32 s1, $0x2  }
0xc3: {  	s3 =	sand.u32 $0x4000, s31;
	s1 =	sadd.s32 s1, s30  }
0xc4: {  	s0 =	sor.u32 s3, s0;
	s1 =	sshll.u32 s1, $0x11  }
0xc5: {  	s0 =	sor.u32 s1, s0  }
0xc6: {  	s0 =	sadd.s32 $0x8F2B, s0  }
0xc7: {  	[sflag:s0] =	ssyncadd.remote.s32 $0x1  }
0xc8: {  	_ =	sfence.sel $0xFFFF  }
0xc9: {  	[dreg:$0x0] =	wrdreg $0xFFFFFFFF;
	(pc) =	sbr.abs _section_cstart, $3  }
0xca: {  	[dreg:$0x1] =	wrdreg $0xFFFFFFFF  }
0xcb: {  	_ =	task.clear_ibuf [dreg:s12], $0x2FFFF;
	_ =	strace $0x9FFFFFFF  }
0xcc: {  	(tm) =	ssettm $0x7FFFFFFF  }
0xcd: {  	_ =	shalt  }
tec
execute0_lowered:
.L_overlay_start_1:
0x0: {  	(tag) =	ssettag $0x1  }
0x1: {  	s0 =	rddreg [dreg:$0x0]  }
0x2: {  	s3 =	rddreg [dreg:$0x1]  }
0x3: {  	s5 =	rddreg [dreg:$0x2]  }
0x4: {  	s1 =	rddreg [dreg:$0x3]  }
0x5: {  	s2 =	rddreg [dreg:$0x4]  }
0x6: {  	s10 =	rddreg [dreg:$0x6]  }
0x7: {  	s4 =	simm.s32 $0x0;
	s6 =	srdreg.scid;
	s11 =	stileid.u32  }
0x8: {  	s13 =	simm.s32 $0x200;
	s15 =	simm.s32 $0x80;
	s16 =	simm.s32 $0x400  }
0x9: {  	s17 =	simm.s32 $0x8400;
	s19 =	simm.s32 $0x280;
	s23 =	simm.s32 $0x100  }
0xa: {  	s25 =	simm.s32 $0x300;
	s29 =	simm.s32 $0x10700;
	s30 =	simm.s32 $0x180  }
0xb: {  	s31 =	simm.s32 $0x6400;
	s14 =	simm.s32 $0x10780;
	s18 =	simm.s32 $0x1  }
0xc: {  	s20 =	simm.s32 $0x10810;
	s21 =	simm.s32 $0x0;
	[smem:$0x7FF] =	sst s4  }
0xd: {  	s7 =	sand.u32 $0x1, s6;
	s6 =	sadd.s32 $0xF42800, s5;
	s11 =	sshll.u32 s11, $0x7  }
0xe: {  	_ =	strace $0x80000047;
	s8 =	ssub.s32 $0x2, s7;
	s12 =	sshll.u32 s7, $0x6  }
0xf: {  	s7 =	sadd.s32 $0x16E3A00, s5;
	s5 =	simm.s32 $0xE400;
	s9 =	sshrl.u32 s8, $0x1  }
0x10: {  	s11 =	sor.u32 s12, s11;
	s12 =	simm.s32 $0x2;
	s28 =	ssub.s32 s8, s9  }
0x11: {  	v0 =	vlaneseq.u32;
	s8 =	sadd.s32 s0, s11;
	s9 =	sadd.s32 s3, s11;
	s10 =	sadd.s32 s10, s11  }
0x12: {  	v0 =	vmul.u32 $0x40, v0;
	s0 =	simm.s32 $0x380;
	s3 =	simm.s32 $0x10580;
	s11 =	smax.u32 s28, $0x1  }
.LBB2_1:
0x13: {  	[tilespmem:s4], [sflag:$0x2] =	stream.linear.gather [hbm4b:s8+s4], $0x200, $0x38;
	[tilespmem:$0x10A10] =	vst v63  }
0x14: {  	_ =	swait.ge [sflag:s12], $0x200  }
0x15: {  	[sflag:s12] =	ssyncset.done $0x0  }
0x16: {  	[sflag:s12] =	ssyncadd.s32 $0xFFFFFE00  }
0x17: {  	[tilespmem:s13], [sflag:$0x2] =	stream.linear.gather [hbm4b:s9+s4], $0x200, $0x38;
	[tilespmem:$0x10A10] =	vst v63  }
0x18: {  	_ =	swait.ge [sflag:s12], $0x200  }
0x19: {  	[sflag:s12] =	ssyncset.done $0x0  }
0x1a: {  	[sflag:s12] =	ssyncadd.s32 $0xFFFFFE00  }
0x1b: {  	s24 =	simm.s32 $0x10800;
	s22 =	rddreg [dreg:$0x5]  }
0x1c: {  	[tilespmem:s24], [sflag:$0x2] =	stream.linear.gather [hbm4b:s22+s4], $0x10, $0x38;
	[tilespmem:$0x10A10] =	vst v63  }
0x1d: {  	_ =	swait.ge [sflag:s12], $0x10  }
0x1e: {  	[sflag:s12] =	ssyncset.done $0x0  }
0x1f: {  	[sflag:s12] =	ssyncadd.s32 $0xFFFFFFF0  }
0x20: {  	[tilespmem:s16], [sflag:$0x1] =	stream.indirect.gather [hbm4b:s6+s15], $0x40, s4, s15, $0xb8;
	[tilespmem:$0x10A10] =	vst v63  }
0x21: {  	_ = 	snop  }
0x22: {  	[tilespmem:s17], [sflag:$0x1] =	stream.indirect.gather [hbm4b:s7+s15], $0x40, s13, s15, $0xb8;
	[tilespmem:$0x10A10] =	vst v63  }
0x23: {  	s24 =	simm.s32 $0x10400  }
0x24: {  	[tilespmem:s24], [sflag:$0x1] =	stream.indirect.gather [hbm4b:s1+s15], $0x1, s4, s15, $0xb8;
	[tilespmem:$0x10A10] =	vst v63  }
0x25: {  	s22 =	simm.s32 $0x10600  }
0x26: {  	[tilespmem:s22], [sflag:$0x1] =	stream.indirect.gather [hbm4b:s2+s15], $0x1, s13, s15, $0xb8;
	[tilespmem:$0x10A10] =	vst v63  }
0x27: {  	s26 =	simm.s32 $0x2400  }
0x28: {  	[tilespmem:s26], [sflag:$0x1] =	stream.indirect.gather [hbm4b:s6+s15], $0x40, s15, s15, $0xb8;
	[tilespmem:$0x10A10] =	vst v63  }
0x29: {  	s26 =	simm.s32 $0xA400  }
0x2a: {  	[tilespmem:s26], [sflag:$0x1] =	stream.indirect.gather [hbm4b:s7+s15], $0x40, s19, s15, $0xb8;
	[tilespmem:$0x10A10] =	vst v63  }
0x2b: {  	s26 =	simm.s32 $0x10480  }
0x2c: {  	[tilespmem:s26], [sflag:$0x1] =	stream.indirect.gather [hbm4b:s1+s15], $0x1, s15, s15, $0xb8;
	[tilespmem:$0x10A10] =	vst v63  }
0x2d: {  	s26 =	simm.s32 $0x10680  }
0x2e: {  	[tilespmem:s26], [sflag:$0x1] =	stream.indirect.gather [hbm4b:s2+s15], $0x1, s19, s15, $0xb8;
	[tilespmem:$0x10A10] =	vst v63  }
0x2f: {  	s26 =	simm.s32 $0x4400  }
0x30: {  	[tilespmem:s26], [sflag:$0x1] =	stream.indirect.gather [hbm4b:s6+s15], $0x40, s23, s15, $0xb8;
	[tilespmem:$0x10A10] =	vst v63  }
0x31: {  	s26 =	simm.s32 $0xC400  }
0x32: {  	[tilespmem:s26], [sflag:$0x1] =	stream.indirect.gather [hbm4b:s7+s15], $0x40, s25, s15, $0xb8;
	[tilespmem:$0x10A10] =	vst v63  }
0x33: {  	s26 =	simm.s32 $0x10500  }
0x34: {  	[tilespmem:s26], [sflag:$0x1] =	stream.indirect.gather [hbm4b:s1+s15], $0x1, s23, s15, $0xb8;
	[tilespmem:$0x10A10] =	vst v63  }
0x35: {  	_ = 	snop  }
0x36: {  	[tilespmem:s29], [sflag:$0x1] =	stream.indirect.gather [hbm4b:s2+s15], $0x1, s25, s15, $0xb8;
	[tilespmem:$0x10A10] =	vst v63  }
0x37: {  	_ = 	snop  }
0x38: {  	[tilespmem:s31], [sflag:$0x1] =	stream.indirect.gather [hbm4b:s6+s15], $0x40, s30, s15, $0xb8;
	[tilespmem:$0x10A10] =	vst v63  }
0x39: {  	_ = 	snop  }
0x3a: {  	[tilespmem:s5], [sflag:$0x1] =	stream.indirect.gather [hbm4b:s7+s15], $0x40, s0, s15, $0xb8;
	[tilespmem:$0x10A10] =	vst v63  }
0x3b: {  	_ = 	snop  }
0x3c: {  	[tilespmem:s3], [sflag:$0x1] =	stream.indirect.gather [hbm4b:s1+s15], $0x1, s30, s15, $0xb8;
	[tilespmem:$0x10A10] =	vst v63  }
0x3d: {  	_ = 	snop  }
0x3e: {  	[tilespmem:s14], [sflag:$0x1] =	stream.indirect.gather [hbm4b:s2+s15], $0x1, s0, s15, $0xb8;
	[tilespmem:$0x10A10] =	vst v63  }
0x3f: {  	_ =	swait.ge [sflag:s18], $0x2000  }
0x40: {  	[sflag:s18] =	ssyncset.done $0x0  }
0x41: {  	[sflag:s18] =	ssyncadd.s32 $0xFFFFE000  }
0x42: {  	_ =	swait.ge [sflag:s18], $0x2000  }
0x43: {  	[sflag:s18] =	ssyncset.done $0x0  }
0x44: {  	[sflag:s18] =	ssyncadd.s32 $0xFFFFE000  }
0x45: {  	_ =	swait.ge [sflag:s18], $0x80  }
0x46: {  	[sflag:s18] =	ssyncset.done $0x0  }
0x47: {  	[sflag:s18] =	ssyncadd.s32 $0xFFFFFF80  }
0x48: {  	_ =	swait.ge [sflag:s18], $0x80  }
0x49: {  	[sflag:s18] =	ssyncset.done $0x0  }
0x4a: {  	[sflag:s18] =	ssyncadd.s32 $0xFFFFFF80  }
0x4b: {  	_ =	swait.ge [sflag:s18], $0x2000  }
0x4c: {  	[sflag:s18] =	ssyncset.done $0x0  }
0x4d: {  	[sflag:s18] =	ssyncadd.s32 $0xFFFFE000  }
0x4e: {  	_ =	swait.ge [sflag:s18], $0x2000  }
0x4f: {  	[sflag:s18] =	ssyncset.done $0x0  }
0x50: {  	[sflag:s18] =	ssyncadd.s32 $0xFFFFE000  }
0x51: {  	_ =	swait.ge [sflag:s18], $0x80  }
0x52: {  	[sflag:s18] =	ssyncset.done $0x0  }
0x53: {  	[sflag:s18] =	ssyncadd.s32 $0xFFFFFF80  }
0x54: {  	_ =	swait.ge [sflag:s18], $0x80  }
0x55: {  	[sflag:s18] =	ssyncset.done $0x0  }
0x56: {  	[sflag:s18] =	ssyncadd.s32 $0xFFFFFF80  }
0x57: {  	_ =	swait.ge [sflag:s18], $0x2000  }
0x58: {  	[sflag:s18] =	ssyncset.done $0x0  }
0x59: {  	[sflag:s18] =	ssyncadd.s32 $0xFFFFE000  }
0x5a: {  	_ =	swait.ge [sflag:s18], $0x2000  }
0x5b: {  	[sflag:s18] =	ssyncset.done $0x0  }
0x5c: {  	[sflag:s18] =	ssyncadd.s32 $0xFFFFE000  }
0x5d: {  	_ =	swait.ge [sflag:s18], $0x80  }
0x5e: {  	[sflag:s18] =	ssyncset.done $0x0  }
0x5f: {  	[sflag:s18] =	ssyncadd.s32 $0xFFFFFF80  }
0x60: {  	_ =	swait.ge [sflag:s18], $0x80  }
0x61: {  	[sflag:s18] =	ssyncset.done $0x0  }
0x62: {  	[sflag:s18] =	ssyncadd.s32 $0xFFFFFF80  }
0x63: {  	_ =	swait.ge [sflag:s18], $0x2000  }
0x64: {  	[sflag:s18] =	ssyncset.done $0x0  }
0x65: {  	[sflag:s18] =	ssyncadd.s32 $0xFFFFE000  }
0x66: {  	_ =	swait.ge [sflag:s18], $0x2000  }
0x67: {  	[sflag:s18] =	ssyncset.done $0x0  }
0x68: {  	[sflag:s18] =	ssyncadd.s32 $0xFFFFE000  }
0x69: {  	v1 =	vmov s4;
	_ =	swait.ge [sflag:s18], $0x80  }
0x6a: {  	v1 =	vshll.u32 v1, $0x6;
	[sflag:s18] =	ssyncset.done $0x0  }
0x6b: {  	v2 =	vor.u32 v0, v1;
	[sflag:s18] =	ssyncadd.s32 $0xFFFFFF80  }
0x6c: {  	_ =	swait.ge [sflag:s18], $0x80  }
0x6d: {  	[sflag:s18] =	ssyncset.done $0x0  }
0x6e: {  	[sflag:s18] =	ssyncadd.s32 $0xFFFFFF80  }
0x6f: {  	v3 =	vor.u32 $0x1, v2;
	v1 =	vld [tilespmem:$0x10800]  }
0x70: {  	v4 =	vld.idx.msk [tilespmem:v2+s16+$0x0], $0xffff  }
0x71: {  	v5 =	vor.u32 $0x2, v2;
	v6 =	vld [tilespmem:s24+$0x0]  }
0x72: {  	v7 =	vld.idx.msk [tilespmem:v2+s17+$0x0], $0xffff  }
0x73: {  	v8 =	vor.u32 $0x3, v2;
	v9 =	vld [tilespmem:s22+$0x0]  }
0x74: {  	v10 =	vld.idx.msk [tilespmem:v3+s16+$0x0], $0xffff  }
0x75: {  	v11 =	vor.u32 $0x4, v2;
	v3 =	vld.idx.msk [tilespmem:v3+s17+$0x0], $0xffff  }
0x76: {  	v12 =	vld.idx.msk [tilespmem:v5+s16+$0x0], $0xffff;
	v6 =	vadd.f32 v6, v1  }
0x77: {  	v13 =	vor.u32 $0x5, v2;
	v5 =	vld.idx.msk [tilespmem:v5+s17+$0x0], $0xffff  }
0x78: {  	v14 =	vld.idx.msk [tilespmem:v8+s16+$0x0], $0xffff;
	v4 =	vmul.f32 v7, v4;
	v6 =	vadd.f32 v9, v6  }
0x79: {  	v63 =	vor.u32 $0x6, v2;
	v7 =	vld.idx.msk [tilespmem:v8+s17+$0x0], $0xffff  }
0x7a: {  	v16 =	vld.idx.msk [tilespmem:v11+s16+$0x0], $0xffff;
	v3 =	vmul.f32 v3, v10;
	v4 =	vadd.f32 v4, v6  }
0x7b: {  	v17 =	vor.u32 $0x7, v2;
	v6 =	vld.idx.msk [tilespmem:v11+s17+$0x0], $0xffff  }
0x7c: {  	v18 =	vld.idx.msk [tilespmem:v13+s16+$0x0], $0xffff;
	v3 =	vadd.f32 v3, v4;
	v4 =	vmul.f32 v5, v12  }
0x7d: {  	v19 =	vor.u32 $0x8, v2;
	v5 =	vld.idx.msk [tilespmem:v13+s17+$0x0], $0xffff  }
0x7e: {  	v20 =	vld.idx.msk [tilespmem:v63+s16+$0x0], $0xffff;
	v3 =	vadd.f32 v4, v3;
	v4 =	vmul.f32 v7, v14  }
0x7f: {  	v21 =	vor.u32 $0x9, v2;
	v7 =	vld.idx.msk [tilespmem:v63+s17+$0x0], $0xffff  }
0x80: {  	v22 =	vld.idx.msk [tilespmem:v17+s16+$0x0], $0xffff;
	v3 =	vadd.f32 v4, v3;
	v4 =	vmul.f32 v6, v16  }
0x81: {  	v23 =	vor.u32 $0xA, v2;
	v6 =	vld.idx.msk [tilespmem:v17+s17+$0x0], $0xffff  }
0x82: {  	v24 =	vld.idx.msk [tilespmem:v19+s16+$0x0], $0xffff;
	v3 =	vadd.f32 v4, v3;
	v4 =	vmul.f32 v5, v18  }
0x83: {  	v25 =	vor.u32 $0xB, v2;
	v5 =	vld.idx.msk [tilespmem:v19+s17+$0x0], $0xffff  }
0x84: {  	v26 =	vld.idx.msk [tilespmem:v21+s16+$0x0], $0xffff;
	v3 =	vadd.f32 v4, v3;
	v4 =	vmul.f32 v7, v20  }
0x85: {  	v27 =	vor.u32 $0xC, v2;
	v7 =	vld.idx.msk [tilespmem:v21+s17+$0x0], $0xffff  }
0x86: {  	v28 =	vld.idx.msk [tilespmem:v23+s16+$0x0], $0xffff;
	v3 =	vadd.f32 v4, v3;
	v4 =	vmul.f32 v6, v22  }
0x87: {  	v29 =	vor.u32 $0xD, v2;
	v6 =	vld.idx.msk [tilespmem:v23+s17+$0x0], $0xffff  }
0x88: {  	v30 =	vld.idx.msk [tilespmem:v25+s16+$0x0], $0xffff;
	v3 =	vadd.f32 v4, v3;
	v4 =	vmul.f32 v5, v24  }
0x89: {  	v31 =	vor.u32 $0xE, v2;
	v5 =	vld.idx.msk [tilespmem:v25+s17+$0x0], $0xffff  }
0x8a: {  	v32 =	vld.idx.msk [tilespmem:v27+s16+$0x0], $0xffff;
	v3 =	vadd.f32 v4, v3;
	v4 =	vmul.f32 v7, v26  }
0x8b: {  	v33 =	vor.u32 $0xF, v2;
	v7 =	vld.idx.msk [tilespmem:v27+s17+$0x0], $0xffff  }
0x8c: {  	v34 =	vld.idx.msk [tilespmem:v29+s16+$0x0], $0xffff;
	v3 =	vadd.f32 v4, v3;
	v4 =	vmul.f32 v6, v28  }
0x8d: {  	v35 =	vor.u32 $0x10, v2;
	v6 =	vld.idx.msk [tilespmem:v29+s17+$0x0], $0xffff  }
0x8e: {  	v36 =	vld.idx.msk [tilespmem:v31+s16+$0x0], $0xffff;
	v3 =	vadd.f32 v4, v3;
	v4 =	vmul.f32 v5, v30  }
0x8f: {  	v37 =	vor.u32 $0x11, v2;
	v5 =	vld.idx.msk [tilespmem:v31+s17+$0x0], $0xffff  }
0x90: {  	v38 =	vld.idx.msk [tilespmem:v33+s16+$0x0], $0xffff;
	v3 =	vadd.f32 v4, v3;
	v4 =	vmul.f32 v7, v32  }
0x91: {  	v39 =	vor.u32 $0x12, v2;
	v7 =	vld.idx.msk [tilespmem:v33+s17+$0x0], $0xffff  }
0x92: {  	v40 =	vld.idx.msk [tilespmem:v35+s16+$0x0], $0xffff;
	v3 =	vadd.f32 v4, v3;
	v4 =	vmul.f32 v6, v34  }
0x93: {  	v41 =	vor.u32 $0x13, v2;
	v6 =	vld.idx.msk [tilespmem:v35+s17+$0x0], $0xffff  }
0x94: {  	v42 =	vld.idx.msk [tilespmem:v37+s16+$0x0], $0xffff;
	v3 =	vadd.f32 v4, v3;
	v4 =	vmul.f32 v5, v36  }
0x95: {  	v43 =	vor.u32 $0x14, v2;
	v5 =	vld.idx.msk [tilespmem:v37+s17+$0x0], $0xffff  }
0x96: {  	v44 =	vld.idx.msk [tilespmem:v39+s16+$0x0], $0xffff;
	v3 =	vadd.f32 v4, v3;
	v4 =	vmul.f32 v7, v38  }
0x97: {  	v45 =	vor.u32 $0x15, v2;
	v7 =	vld.idx.msk [tilespmem:v39+s17+$0x0], $0xffff  }
0x98: {  	v46 =	vld.idx.msk [tilespmem:v41+s16+$0x0], $0xffff;
	v3 =	vadd.f32 v4, v3;
	v4 =	vmul.f32 v6, v40  }
0x99: {  	v47 =	vor.u32 $0x16, v2;
	v6 =	vld.idx.msk [tilespmem:v41+s17+$0x0], $0xffff  }
0x9a: {  	v48 =	vld.idx.msk [tilespmem:v43+s16+$0x0], $0xffff;
	v3 =	vadd.f32 v4, v3;
	v4 =	vmul.f32 v5, v42  }
0x9b: {  	v49 =	vor.u32 $0x17, v2;
	v5 =	vld.idx.msk [tilespmem:v43+s17+$0x0], $0xffff  }
0x9c: {  	v50 =	vld.idx.msk [tilespmem:v45+s16+$0x0], $0xffff;
	v3 =	vadd.f32 v4, v3;
	v4 =	vmul.f32 v7, v44  }
0x9d: {  	v51 =	vor.u32 $0x18, v2;
	v7 =	vld.idx.msk [tilespmem:v45+s17+$0x0], $0xffff  }
0x9e: {  	v52 =	vld.idx.msk [tilespmem:v47+s16+$0x0], $0xffff;
	v3 =	vadd.f32 v4, v3;
	v4 =	vmul.f32 v6, v46  }
0x9f: {  	v53 =	vor.u32 $0x19, v2;
	v6 =	vld.idx.msk [tilespmem:v47+s17+$0x0], $0xffff  }
0xa0: {  	v54 =	vld.idx.msk [tilespmem:v49+s16+$0x0], $0xffff;
	v3 =	vadd.f32 v4, v3;
	v4 =	vmul.f32 v5, v48  }
0xa1: {  	v55 =	vor.u32 $0x1A, v2;
	v5 =	vld.idx.msk [tilespmem:v49+s17+$0x0], $0xffff  }
0xa2: {  	v56 =	vld.idx.msk [tilespmem:v51+s16+$0x0], $0xffff;
	v3 =	vadd.f32 v4, v3;
	v4 =	vmul.f32 v7, v50  }
0xa3: {  	v57 =	vor.u32 $0x1B, v2;
	v7 =	vld.idx.msk [tilespmem:v51+s17+$0x0], $0xffff  }
0xa4: {  	v58 =	vld.idx.msk [tilespmem:v53+s16+$0x0], $0xffff;
	v3 =	vadd.f32 v4, v3;
	v4 =	vmul.f32 v6, v52  }
0xa5: {  	v59 =	vor.u32 $0x1C, v2;
	v6 =	vld.idx.msk [tilespmem:v53+s17+$0x0], $0xffff  }
0xa6: {  	v60 =	vld.idx.msk [tilespmem:v55+s16+$0x0], $0xffff;
	v3 =	vadd.f32 v4, v3;
	v4 =	vmul.f32 v5, v54  }
0xa7: {  	v61 =	vor.u32 $0x1D, v2;
	v5 =	vld.idx.msk [tilespmem:v55+s17+$0x0], $0xffff  }
0xa8: {  	v62 =	vld.idx.msk [tilespmem:v57+s16+$0x0], $0xffff;
	v3 =	vadd.f32 v4, v3;
	v4 =	vmul.f32 v7, v56  }
0xa9: {  	v63 =	vor.u32 $0x1E, v2;
	v7 =	vld.idx.msk [tilespmem:v57+s17+$0x0], $0xffff  }
0xaa: {  	v16 =	vld.idx.msk [tilespmem:v59+s16+$0x0], $0xffff;
	v3 =	vadd.f32 v4, v3;
	v4 =	vmul.f32 v6, v58  }
0xab: {  	v17 =	vor.u32 $0x1F, v2;
	v6 =	vld.idx.msk [tilespmem:v59+s17+$0x0], $0xffff  }
0xac: {  	v18 =	vld.idx.msk [tilespmem:v61+s16+$0x0], $0xffff;
	v3 =	vadd.f32 v4, v3;
	v4 =	vmul.f32 v5, v60  }
0xad: {  	v19 =	vor.u32 $0x20, v2;
	v5 =	vld.idx.msk [tilespmem:v61+s17+$0x0], $0xffff  }
0xae: {  	v20 =	vld.idx.msk [tilespmem:v63+s16+$0x0], $0xffff;
	v3 =	vadd.f32 v4, v3;
	v4 =	vmul.f32 v7, v62  }
0xaf: {  	v21 =	vor.u32 $0x21, v2;
	v7 =	vld.idx.msk [tilespmem:v63+s17+$0x0], $0xffff  }
0xb0: {  	v22 =	vld.idx.msk [tilespmem:v17+s16+$0x0], $0xffff;
	v3 =	vadd.f32 v4, v3;
	v4 =	vmul.f32 v6, v16  }
0xb1: {  	v23 =	vor.u32 $0x22, v2;
	v6 =	vld.idx.msk [tilespmem:v17+s17+$0x0], $0xffff  }
0xb2: {  	v24 =	vld.idx.msk [tilespmem:v19+s16+$0x0], $0xffff;
	v3 =	vadd.f32 v4, v3;
	v4 =	vmul.f32 v5, v18  }
0xb3: {  	v25 =	vor.u32 $0x23, v2;
	v5 =	vld.idx.msk [tilespmem:v19+s17+$0x0], $0xffff  }
0xb4: {  	v26 =	vld.idx.msk [tilespmem:v21+s16+$0x0], $0xffff;
	v3 =	vadd.f32 v4, v3;
	v4 =	vmul.f32 v7, v20  }
0xb5: {  	v27 =	vor.u32 $0x24, v2;
	v7 =	vld.idx.msk [tilespmem:v21+s17+$0x0], $0xffff  }
0xb6: {  	v28 =	vld.idx.msk [tilespmem:v23+s16+$0x0], $0xffff;
	v3 =	vadd.f32 v4, v3;
	v4 =	vmul.f32 v6, v22  }
0xb7: {  	v29 =	vor.u32 $0x25, v2;
	v6 =	vld.idx.msk [tilespmem:v23+s17+$0x0], $0xffff  }
0xb8: {  	v30 =	vld.idx.msk [tilespmem:v25+s16+$0x0], $0xffff;
	v3 =	vadd.f32 v4, v3;
	v4 =	vmul.f32 v5, v24  }
0xb9: {  	v31 =	vor.u32 $0x26, v2;
	v5 =	vld.idx.msk [tilespmem:v25+s17+$0x0], $0xffff  }
0xba: {  	v32 =	vld.idx.msk [tilespmem:v27+s16+$0x0], $0xffff;
	v3 =	vadd.f32 v4, v3;
	v4 =	vmul.f32 v7, v26  }
0xbb: {  	v33 =	vor.u32 $0x27, v2;
	v7 =	vld.idx.msk [tilespmem:v27+s17+$0x0], $0xffff  }
0xbc: {  	v34 =	vld.idx.msk [tilespmem:v29+s16+$0x0], $0xffff;
	v3 =	vadd.f32 v4, v3;
	v4 =	vmul.f32 v6, v28  }
0xbd: {  	v35 =	vor.u32 $0x28, v2;
	v6 =	vld.idx.msk [tilespmem:v29+s17+$0x0], $0xffff  }
0xbe: {  	v36 =	vld.idx.msk [tilespmem:v31+s16+$0x0], $0xffff;
	v3 =	vadd.f32 v4, v3;
	v4 =	vmul.f32 v5, v30  }
0xbf: {  	v37 =	vor.u32 $0x29, v2;
	v5 =	vld.idx.msk [tilespmem:v31+s17+$0x0], $0xffff  }
0xc0: {  	v38 =	vld.idx.msk [tilespmem:v33+s16+$0x0], $0xffff;
	v3 =	vadd.f32 v4, v3;
	v4 =	vmul.f32 v7, v32  }
0xc1: {  	v39 =	vor.u32 $0x2A, v2;
	v7 =	vld.idx.msk [tilespmem:v33+s17+$0x0], $0xffff  }
0xc2: {  	v40 =	vld.idx.msk [tilespmem:v35+s16+$0x0], $0xffff;
	v3 =	vadd.f32 v4, v3;
	v4 =	vmul.f32 v6, v34  }
0xc3: {  	v41 =	vor.u32 $0x2B, v2;
	v6 =	vld.idx.msk [tilespmem:v35+s17+$0x0], $0xffff  }
0xc4: {  	v42 =	vld.idx.msk [tilespmem:v37+s16+$0x0], $0xffff;
	v3 =	vadd.f32 v4, v3;
	v4 =	vmul.f32 v5, v36  }
0xc5: {  	v43 =	vor.u32 $0x2C, v2;
	v5 =	vld.idx.msk [tilespmem:v37+s17+$0x0], $0xffff  }
0xc6: {  	v44 =	vld.idx.msk [tilespmem:v39+s16+$0x0], $0xffff;
	v3 =	vadd.f32 v4, v3;
	v4 =	vmul.f32 v7, v38  }
0xc7: {  	v45 =	vor.u32 $0x2D, v2;
	v7 =	vld.idx.msk [tilespmem:v39+s17+$0x0], $0xffff  }
0xc8: {  	v46 =	vld.idx.msk [tilespmem:v41+s16+$0x0], $0xffff;
	v3 =	vadd.f32 v4, v3;
	v4 =	vmul.f32 v6, v40  }
0xc9: {  	v47 =	vor.u32 $0x2E, v2;
	v6 =	vld.idx.msk [tilespmem:v41+s17+$0x0], $0xffff  }
0xca: {  	v48 =	vld.idx.msk [tilespmem:v43+s16+$0x0], $0xffff;
	v3 =	vadd.f32 v4, v3;
	v4 =	vmul.f32 v5, v42  }
0xcb: {  	v49 =	vor.u32 $0x2F, v2;
	v5 =	vld.idx.msk [tilespmem:v43+s17+$0x0], $0xffff  }
0xcc: {  	v50 =	vld.idx.msk [tilespmem:v45+s16+$0x0], $0xffff;
	v3 =	vadd.f32 v4, v3;
	v4 =	vmul.f32 v7, v44  }
0xcd: {  	v51 =	vor.u32 $0x30, v2;
	v7 =	vld.idx.msk [tilespmem:v45+s17+$0x0], $0xffff  }
0xce: {  	v52 =	vld.idx.msk [tilespmem:v47+s16+$0x0], $0xffff;
	v3 =	vadd.f32 v4, v3;
	v4 =	vmul.f32 v6, v46  }
0xcf: {  	v53 =	vor.u32 $0x31, v2;
	v6 =	vld.idx.msk [tilespmem:v47+s17+$0x0], $0xffff  }
0xd0: {  	v54 =	vld.idx.msk [tilespmem:v49+s16+$0x0], $0xffff;
	v3 =	vadd.f32 v4, v3;
	v4 =	vmul.f32 v5, v48  }
0xd1: {  	v55 =	vor.u32 $0x32, v2;
	v5 =	vld.idx.msk [tilespmem:v49+s17+$0x0], $0xffff  }
0xd2: {  	v56 =	vld.idx.msk [tilespmem:v51+s16+$0x0], $0xffff;
	v3 =	vadd.f32 v4, v3;
	v4 =	vmul.f32 v7, v50  }
0xd3: {  	v57 =	vor.u32 $0x33, v2;
	v7 =	vld.idx.msk [tilespmem:v51+s17+$0x0], $0xffff  }
0xd4: {  	v58 =	vld.idx.msk [tilespmem:v53+s16+$0x0], $0xffff;
	v3 =	vadd.f32 v4, v3;
	v4 =	vmul.f32 v6, v52  }
0xd5: {  	v59 =	vor.u32 $0x34, v2;
	v6 =	vld.idx.msk [tilespmem:v53+s17+$0x0], $0xffff  }
0xd6: {  	v60 =	vld.idx.msk [tilespmem:v55+s16+$0x0], $0xffff;
	v3 =	vadd.f32 v4, v3;
	v4 =	vmul.f32 v5, v54  }
0xd7: {  	v61 =	vor.u32 $0x35, v2;
	v5 =	vld.idx.msk [tilespmem:v55+s17+$0x0], $0xffff  }
0xd8: {  	v62 =	vld.idx.msk [tilespmem:v57+s16+$0x0], $0xffff;
	v3 =	vadd.f32 v4, v3;
	v4 =	vmul.f32 v7, v56  }
0xd9: {  	v63 =	vor.u32 $0x36, v2;
	v7 =	vld.idx.msk [tilespmem:v57+s17+$0x0], $0xffff  }
0xda: {  	v16 =	vld.idx.msk [tilespmem:v59+s16+$0x0], $0xffff;
	v3 =	vadd.f32 v4, v3;
	v4 =	vmul.f32 v6, v58  }
0xdb: {  	v17 =	vor.u32 $0x37, v2;
	v6 =	vld.idx.msk [tilespmem:v59+s17+$0x0], $0xffff  }
0xdc: {  	v18 =	vld.idx.msk [tilespmem:v61+s16+$0x0], $0xffff;
	v3 =	vadd.f32 v4, v3;
	v4 =	vmul.f32 v5, v60  }
0xdd: {  	v19 =	vor.u32 $0x38, v2;
	v5 =	vld.idx.msk [tilespmem:v61+s17+$0x0], $0xffff  }
0xde: {  	v20 =	vld.idx.msk [tilespmem:v63+s16+$0x0], $0xffff;
	v3 =	vadd.f32 v4, v3;
	v4 =	vmul.f32 v7, v62  }
0xdf: {  	v21 =	vor.u32 $0x39, v2;
	v7 =	vld.idx.msk [tilespmem:v63+s17+$0x0], $0xffff  }
0xe0: {  	v22 =	vld.idx.msk [tilespmem:v17+s16+$0x0], $0xffff;
	v3 =	vadd.f32 v4, v3;
	v4 =	vmul.f32 v6, v16  }
0xe1: {  	v23 =	vor.u32 $0x3A, v2;
	v6 =	vld.idx.msk [tilespmem:v17+s17+$0x0], $0xffff  }
0xe2: {  	v24 =	vld.idx.msk [tilespmem:v19+s16+$0x0], $0xffff;
	v3 =	vadd.f32 v4, v3;
	v4 =	vmul.f32 v5, v18  }
0xe3: {  	v25 =	vor.u32 $0x3B, v2;
	v5 =	vld.idx.msk [tilespmem:v19+s17+$0x0], $0xffff  }
0xe4: {  	v26 =	vld.idx.msk [tilespmem:v21+s16+$0x0], $0xffff;
	v3 =	vadd.f32 v4, v3;
	v4 =	vmul.f32 v7, v20  }
0xe5: {  	v27 =	vor.u32 $0x3C, v2;
	v7 =	vld.idx.msk [tilespmem:v21+s17+$0x0], $0xffff  }
0xe6: {  	v28 =	vld.idx.msk [tilespmem:v23+s16+$0x0], $0xffff;
	v3 =	vadd.f32 v4, v3;
	v4 =	vmul.f32 v6, v22  }
0xe7: {  	v29 =	vor.u32 $0x3D, v2;
	v6 =	vld.idx.msk [tilespmem:v23+s17+$0x0], $0xffff  }
0xe8: {  	v30 =	vld.idx.msk [tilespmem:v25+s16+$0x0], $0xffff;
	v3 =	vadd.f32 v4, v3;
	v4 =	vmul.f32 v5, v24  }
0xe9: {  	v31 =	vor.u32 $0x3E, v2;
	v5 =	vld.idx.msk [tilespmem:v25+s17+$0x0], $0xffff  }
0xea: {  	v32 =	vld.idx.msk [tilespmem:v27+s16+$0x0], $0xffff;
	v3 =	vadd.f32 v4, v3;
	v4 =	vmul.f32 v7, v26  }
0xeb: {  	v2 =	vor.u32 $0x3F, v2;
	v7 =	vld.idx.msk [tilespmem:v27+s17+$0x0], $0xffff  }
0xec: {  	v33 =	vld.idx.msk [tilespmem:v29+s16+$0x0], $0xffff;
	v3 =	vadd.f32 v4, v3;
	v4 =	vmul.f32 v6, v28  }
0xed: {  	v6 =	vld.idx.msk [tilespmem:v29+s17+$0x0], $0xffff  }
0xee: {  	v34 =	vld.idx.msk [tilespmem:v31+s16+$0x0], $0xffff;
	v3 =	vadd.f32 v4, v3;
	v4 =	vmul.f32 v5, v30  }
0xef: {  	v5 =	vld.idx.msk [tilespmem:v31+s17+$0x0], $0xffff  }
0xf0: {  	v35 =	vld.idx.msk [tilespmem:v2+s16+$0x0], $0xffff;
	v3 =	vadd.f32 v4, v3;
	v4 =	vmul.f32 v7, v32  }
0xf1: {  	v7 =	vld.idx.msk [tilespmem:v2+s17+$0x0], $0xffff  }
0xf2: {  	v2 =	vadd.f32 v4, v3;
	v3 =	vmul.f32 v6, v33  }
0xf3: {  	s26 =	simm.s32 $0x10  }
0xf4: {  	v4 =	vmov s26;
	v5 =	vmul.f32 v5, v34;
	v3 =	vadd.f32 v3, v2  }
0xf5: {  	v2 =	vshll.u32 v4, $0x6  }
0xf6: {  	v2 =	vor.u32 v0, v2;
	v4 =	vmul.f32 v7, v35;
	v3 =	vadd.f32 v5, v3;
	_ =	sdelay $0x1  }
0xf7: {  	v3 =	vadd.f32 v4, v3;
	_ =	sdelay $0x1  }
0xf8: {  	v4 =	vor.u32 $0x1, v2;
	[tilespmem:s20+$0x0] =	vst v3  }
0xf9: {  	s22 =	simm.s32 $0x10410;
	v3 =	vld.idx.msk [tilespmem:v2+s16+$0x0], $0xffff  }
0xfa: {  	v5 =	vor.u32 $0x2, v2;
	v6 =	vld [tilespmem:s22+$0x0]  }
0xfb: {  	s24 =	simm.s32 $0x10610;
	v7 =	vld.idx.msk [tilespmem:v2+s17+$0x0], $0xffff  }
0xfc: {  	v36 =	vor.u32 $0x3, v2;
	v37 =	vld [tilespmem:s24+$0x0]  }
0xfd: {  	v38 =	vld.idx.msk [tilespmem:v4+s16+$0x0], $0xffff  }
0xfe: {  	v39 =	vor.u32 $0x4, v2;
	v4 =	vld.idx.msk [tilespmem:v4+s17+$0x0], $0xffff  }
0xff: {  	v40 =	vld.idx.msk [tilespmem:v5+s16+$0x0], $0xffff;
	v6 =	vadd.f32 v6, v1  }
0x100: {  	v41 =	vor.u32 $0x5, v2;
	v5 =	vld.idx.msk [tilespmem:v5+s17+$0x0], $0xffff  }
0x101: {  	v42 =	vld.idx.msk [tilespmem:v36+s16+$0x0], $0xffff;
	v3 =	vmul.f32 v7, v3;
	v6 =	vadd.f32 v37, v6  }
0x102: {  	v43 =	vor.u32 $0x6, v2;
	v7 =	vld.idx.msk [tilespmem:v36+s17+$0x0], $0xffff  }
0x103: {  	v44 =	vld.idx.msk [tilespmem:v39+s16+$0x0], $0xffff;
	v4 =	vmul.f32 v4, v38;
	v3 =	vadd.f32 v3, v6  }
0x104: {  	v45 =	vor.u32 $0x7, v2;
	v6 =	vld.idx.msk [tilespmem:v39+s17+$0x0], $0xffff  }
0x105: {  	v46 =	vld.idx.msk [tilespmem:v41+s16+$0x0], $0xffff;
	v3 =	vadd.f32 v4, v3;
	v4 =	vmul.f32 v5, v40  }
0x106: {  	v47 =	vor.u32 $0x8, v2;
	v5 =	vld.idx.msk [tilespmem:v41+s17+$0x0], $0xffff  }
0x107: {  	v48 =	vld.idx.msk [tilespmem:v43+s16+$0x0], $0xffff;
	v3 =	vadd.f32 v4, v3;
	v4 =	vmul.f32 v7, v42  }
0x108: {  	v49 =	vor.u32 $0x9, v2;
	v7 =	vld.idx.msk [tilespmem:v43+s17+$0x0], $0xffff  }
0x109: {  	v50 =	vld.idx.msk [tilespmem:v45+s16+$0x0], $0xffff;
	v3 =	vadd.f32 v4, v3;
	v4 =	vmul.f32 v6, v44  }
0x10a: {  	v51 =	vor.u32 $0xA, v2;
	v6 =	vld.idx.msk [tilespmem:v45+s17+$0x0], $0xffff  }
0x10b: {  	v52 =	vld.idx.msk [tilespmem:v47+s16+$0x0], $0xffff;
	v3 =	vadd.f32 v4, v3;
	v4 =	vmul.f32 v5, v46  }
0x10c: {  	v53 =	vor.u32 $0xB, v2;
	v5 =	vld.idx.msk [tilespmem:v47+s17+$0x0], $0xffff  }
0x10d: {  	v54 =	vld.idx.msk [tilespmem:v49+s16+$0x0], $0xffff;
	v3 =	vadd.f32 v4, v3;
	v4 =	vmul.f32 v7, v48  }
0x10e: {  	v55 =	vor.u32 $0xC, v2;
	v7 =	vld.idx.msk [tilespmem:v49+s17+$0x0], $0xffff  }
0x10f: {  	v56 =	vld.idx.msk [tilespmem:v51+s16+$0x0], $0xffff;
	v3 =	vadd.f32 v4, v3;
	v4 =	vmul.f32 v6, v50  }
0x110: {  	v57 =	vor.u32 $0xD, v2;
	v6 =	vld.idx.msk [tilespmem:v51+s17+$0x0], $0xffff  }
0x111: {  	v58 =	vld.idx.msk [tilespmem:v53+s16+$0x0], $0xffff;
	v3 =	vadd.f32 v4, v3;
	v4 =	vmul.f32 v5, v52  }
0x112: {  	v59 =	vor.u32 $0xE, v2;
	v5 =	vld.idx.msk [tilespmem:v53+s17+$0x0], $0xffff  }
0x113: {  	v60 =	vld.idx.msk [tilespmem:v55+s16+$0x0], $0xffff;
	v3 =	vadd.f32 v4, v3;
	v4 =	vmul.f32 v7, v54  }
0x114: {  	v61 =	vor.u32 $0xF, v2;
	v7 =	vld.idx.msk [tilespmem:v55+s17+$0x0], $0xffff  }
0x115: {  	v62 =	vld.idx.msk [tilespmem:v57+s16+$0x0], $0xffff;
	v3 =	vadd.f32 v4, v3;
	v4 =	vmul.f32 v6, v56  }
0x116: {  	v63 =	vor.u32 $0x10, v2;
	v6 =	vld.idx.msk [tilespmem:v57+s17+$0x0], $0xffff  }
0x117: {  	v16 =	vld.idx.msk [tilespmem:v59+s16+$0x0], $0xffff;
	v3 =	vadd.f32 v4, v3;
	v4 =	vmul.f32 v5, v58  }
0x118: {  	v17 =	vor.u32 $0x11, v2;
	v5 =	vld.idx.msk [tilespmem:v59+s17+$0x0], $0xffff  }
0x119: {  	v18 =	vld.idx.msk [tilespmem:v61+s16+$0x0], $0xffff;
	v3 =	vadd.f32 v4, v3;
	v4 =	vmul.f32 v7, v60  }
0x11a: {  	v19 =	vor.u32 $0x12, v2;
	v7 =	vld.idx.msk [tilespmem:v61+s17+$0x0], $0xffff  }
0x11b: {  	v20 =	vld.idx.msk [tilespmem:v63+s16+$0x0], $0xffff;
	v3 =	vadd.f32 v4, v3;
	v4 =	vmul.f32 v6, v62  }
0x11c: {  	v21 =	vor.u32 $0x13, v2;
	v6 =	vld.idx.msk [tilespmem:v63+s17+$0x0], $0xffff  }
0x11d: {  	v22 =	vld.idx.msk [tilespmem:v17+s16+$0x0], $0xffff;
	v3 =	vadd.f32 v4, v3;
	v4 =	vmul.f32 v5, v16  }
0x11e: {  	v23 =	vor.u32 $0x14, v2;
	v5 =	vld.idx.msk [tilespmem:v17+s17+$0x0], $0xffff  }
0x11f: {  	v24 =	vld.idx.msk [tilespmem:v19+s16+$0x0], $0xffff;
	v3 =	vadd.f32 v4, v3;
	v4 =	vmul.f32 v7, v18  }
0x120: {  	v25 =	vor.u32 $0x15, v2;
	v7 =	vld.idx.msk [tilespmem:v19+s17+$0x0], $0xffff  }
0x121: {  	v26 =	vld.idx.msk [tilespmem:v21+s16+$0x0], $0xffff;
	v3 =	vadd.f32 v4, v3;
	v4 =	vmul.f32 v6, v20  }
0x122: {  	v27 =	vor.u32 $0x16, v2;
	v6 =	vld.idx.msk [tilespmem:v21+s17+$0x0], $0xffff  }
0x123: {  	v28 =	vld.idx.msk [tilespmem:v23+s16+$0x0], $0xffff;
	v3 =	vadd.f32 v4, v3;
	v4 =	vmul.f32 v5, v22  }
0x124: {  	v29 =	vor.u32 $0x17, v2;
	v5 =	vld.idx.msk [tilespmem:v23+s17+$0x0], $0xffff  }
0x125: {  	v30 =	vld.idx.msk [tilespmem:v25+s16+$0x0], $0xffff;
	v3 =	vadd.f32 v4, v3;
	v4 =	vmul.f32 v7, v24  }
0x126: {  	v31 =	vor.u32 $0x18, v2;
	v7 =	vld.idx.msk [tilespmem:v25+s17+$0x0], $0xffff  }
0x127: {  	v32 =	vld.idx.msk [tilespmem:v27+s16+$0x0], $0xffff;
	v3 =	vadd.f32 v4, v3;
	v4 =	vmul.f32 v6, v26  }
0x128: {  	v33 =	vor.u32 $0x19, v2;
	v6 =	vld.idx.msk [tilespmem:v27+s17+$0x0], $0xffff  }
0x129: {  	v34 =	vld.idx.msk [tilespmem:v29+s16+$0x0], $0xffff;
	v3 =	vadd.f32 v4, v3;
	v4 =	vmul.f32 v5, v28  }
0x12a: {  	v35 =	vor.u32 $0x1A, v2;
	v5 =	vld.idx.msk [tilespmem:v29+s17+$0x0], $0xffff  }
0x12b: {  	v36 =	vld.idx.msk [tilespmem:v31+s16+$0x0], $0xffff;
	v3 =	vadd.f32 v4, v3;
	v4 =	vmul.f32 v7, v30  }
0x12c: {  	v37 =	vor.u32 $0x1B, v2;
	v7 =	vld.idx.msk [tilespmem:v31+s17+$0x0], $0xffff  }
0x12d: {  	v38 =	vld.idx.msk [tilespmem:v33+s16+$0x0], $0xffff;
	v3 =	vadd.f32 v4, v3;
	v4 =	vmul.f32 v6, v32  }
0x12e: {  	v39 =	vor.u32 $0x1C, v2;
	v6 =	vld.idx.msk [tilespmem:v33+s17+$0x0], $0xffff  }
0x12f: {  	v40 =	vld.idx.msk [tilespmem:v35+s16+$0x0], $0xffff;
	v3 =	vadd.f32 v4, v3;
	v4 =	vmul.f32 v5, v34  }
0x130: {  	v41 =	vor.u32 $0x1D, v2;
	v5 =	vld.idx.msk [tilespmem:v35+s17+$0x0], $0xffff  }
0x131: {  	v42 =	vld.idx.msk [tilespmem:v37+s16+$0x0], $0xffff;
	v3 =	vadd.f32 v4, v3;
	v4 =	vmul.f32 v7, v36  }
0x132: {  	v43 =	vor.u32 $0x1E, v2;
	v7 =	vld.idx.msk [tilespmem:v37+s17+$0x0], $0xffff  }
0x133: {  	v44 =	vld.idx.msk [tilespmem:v39+s16+$0x0], $0xffff;
	v3 =	vadd.f32 v4, v3;
	v4 =	vmul.f32 v6, v38  }
0x134: {  	v45 =	vor.u32 $0x1F, v2;
	v6 =	vld.idx.msk [tilespmem:v39+s17+$0x0], $0xffff  }
0x135: {  	v46 =	vld.idx.msk [tilespmem:v41+s16+$0x0], $0xffff;
	v3 =	vadd.f32 v4, v3;
	v4 =	vmul.f32 v5, v40  }
0x136: {  	v47 =	vor.u32 $0x20, v2;
	v5 =	vld.idx.msk [tilespmem:v41+s17+$0x0], $0xffff  }
0x137: {  	v48 =	vld.idx.msk [tilespmem:v43+s16+$0x0], $0xffff;
	v3 =	vadd.f32 v4, v3;
	v4 =	vmul.f32 v7, v42  }
0x138: {  	v49 =	vor.u32 $0x21, v2;
	v7 =	vld.idx.msk [tilespmem:v43+s17+$0x0], $0xffff  }
0x139: {  	v50 =	vld.idx.msk [tilespmem:v45+s16+$0x0], $0xffff;
	v3 =	vadd.f32 v4, v3;
	v4 =	vmul.f32 v6, v44  }
0x13a: {  	v51 =	vor.u32 $0x22, v2;
	v6 =	vld.idx.msk [tilespmem:v45+s17+$0x0], $0xffff  }
0x13b: {  	v52 =	vld.idx.msk [tilespmem:v47+s16+$0x0], $0xffff;
	v3 =	vadd.f32 v4, v3;
	v4 =	vmul.f32 v5, v46  }
0x13c: {  	v53 =	vor.u32 $0x23, v2;
	v5 =	vld.idx.msk [tilespmem:v47+s17+$0x0], $0xffff  }
0x13d: {  	v54 =	vld.idx.msk [tilespmem:v49+s16+$0x0], $0xffff;
	v3 =	vadd.f32 v4, v3;
	v4 =	vmul.f32 v7, v48  }
0x13e: {  	v55 =	vor.u32 $0x24, v2;
	v7 =	vld.idx.msk [tilespmem:v49+s17+$0x0], $0xffff  }
0x13f: {  	v56 =	vld.idx.msk [tilespmem:v51+s16+$0x0], $0xffff;
	v3 =	vadd.f32 v4, v3;
	v4 =	vmul.f32 v6, v50  }
0x140: {  	v57 =	vor.u32 $0x25, v2;
	v6 =	vld.idx.msk [tilespmem:v51+s17+$0x0], $0xffff  }
0x141: {  	v58 =	vld.idx.msk [tilespmem:v53+s16+$0x0], $0xffff;
	v3 =	vadd.f32 v4, v3;
	v4 =	vmul.f32 v5, v52  }
0x142: {  	v59 =	vor.u32 $0x26, v2;
	v5 =	vld.idx.msk [tilespmem:v53+s17+$0x0], $0xffff  }
0x143: {  	v60 =	vld.idx.msk [tilespmem:v55+s16+$0x0], $0xffff;
	v3 =	vadd.f32 v4, v3;
	v4 =	vmul.f32 v7, v54  }
0x144: {  	v61 =	vor.u32 $0x27, v2;
	v7 =	vld.idx.msk [tilespmem:v55+s17+$0x0], $0xffff  }
0x145: {  	v62 =	vld.idx.msk [tilespmem:v57+s16+$0x0], $0xffff;
	v3 =	vadd.f32 v4, v3;
	v4 =	vmul.f32 v6, v56  }
0x146: {  	v63 =	vor.u32 $0x28, v2;
	v6 =	vld.idx.msk [tilespmem:v57+s17+$0x0], $0xffff  }
0x147: {  	v16 =	vld.idx.msk [tilespmem:v59+s16+$0x0], $0xffff;
	v3 =	vadd.f32 v4, v3;
	v4 =	vmul.f32 v5, v58  }
0x148: {  	v17 =	vor.u32 $0x29, v2;
	v5 =	vld.idx.msk [tilespmem:v59+s17+$0x0], $0xffff  }
0x149: {  	v18 =	vld.idx.msk [tilespmem:v61+s16+$0x0], $0xffff;
	v3 =	vadd.f32 v4, v3;
	v4 =	vmul.f32 v7, v60  }
0x14a: {  	v19 =	vor.u32 $0x2A, v2;
	v7 =	vld.idx.msk [tilespmem:v61+s17+$0x0], $0xffff  }
0x14b: {  	v20 =	vld.idx.msk [tilespmem:v63+s16+$0x0], $0xffff;
	v3 =	vadd.f32 v4, v3;
	v4 =	vmul.f32 v6, v62  }
0x14c: {  	v21 =	vor.u32 $0x2B, v2;
	v6 =	vld.idx.msk [tilespmem:v63+s17+$0x0], $0xffff  }
0x14d: {  	v22 =	vld.idx.msk [tilespmem:v17+s16+$0x0], $0xffff;
	v3 =	vadd.f32 v4, v3;
	v4 =	vmul.f32 v5, v16  }
0x14e: {  	v23 =	vor.u32 $0x2C, v2;
	v5 =	vld.idx.msk [tilespmem:v17+s17+$0x0], $0xffff  }
0x14f: {  	v24 =	vld.idx.msk [tilespmem:v19+s16+$0x0], $0xffff;
	v3 =	vadd.f32 v4, v3;
	v4 =	vmul.f32 v7, v18  }
0x150: {  	v25 =	vor.u32 $0x2D, v2;
	v7 =	vld.idx.msk [tilespmem:v19+s17+$0x0], $0xffff  }
0x151: {  	v26 =	vld.idx.msk [tilespmem:v21+s16+$0x0], $0xffff;
	v3 =	vadd.f32 v4, v3;
	v4 =	vmul.f32 v6, v20  }
0x152: {  	v27 =	vor.u32 $0x2E, v2;
	v6 =	vld.idx.msk [tilespmem:v21+s17+$0x0], $0xffff  }
0x153: {  	v28 =	vld.idx.msk [tilespmem:v23+s16+$0x0], $0xffff;
	v3 =	vadd.f32 v4, v3;
	v4 =	vmul.f32 v5, v22  }
0x154: {  	v29 =	vor.u32 $0x2F, v2;
	v5 =	vld.idx.msk [tilespmem:v23+s17+$0x0], $0xffff  }
0x155: {  	v30 =	vld.idx.msk [tilespmem:v25+s16+$0x0], $0xffff;
	v3 =	vadd.f32 v4, v3;
	v4 =	vmul.f32 v7, v24  }
0x156: {  	v31 =	vor.u32 $0x30, v2;
	v7 =	vld.idx.msk [tilespmem:v25+s17+$0x0], $0xffff  }
0x157: {  	v32 =	vld.idx.msk [tilespmem:v27+s16+$0x0], $0xffff;
	v3 =	vadd.f32 v4, v3;
	v4 =	vmul.f32 v6, v26  }
0x158: {  	v33 =	vor.u32 $0x31, v2;
	v6 =	vld.idx.msk [tilespmem:v27+s17+$0x0], $0xffff  }
0x159: {  	v34 =	vld.idx.msk [tilespmem:v29+s16+$0x0], $0xffff;
	v3 =	vadd.f32 v4, v3;
	v4 =	vmul.f32 v5, v28  }
0x15a: {  	v35 =	vor.u32 $0x32, v2;
	v5 =	vld.idx.msk [tilespmem:v29+s17+$0x0], $0xffff  }
0x15b: {  	v36 =	vld.idx.msk [tilespmem:v31+s16+$0x0], $0xffff;
	v3 =	vadd.f32 v4, v3;
	v4 =	vmul.f32 v7, v30  }
0x15c: {  	v37 =	vor.u32 $0x33, v2;
	v7 =	vld.idx.msk [tilespmem:v31+s17+$0x0], $0xffff  }
0x15d: {  	v38 =	vld.idx.msk [tilespmem:v33+s16+$0x0], $0xffff;
	v3 =	vadd.f32 v4, v3;
	v4 =	vmul.f32 v6, v32  }
0x15e: {  	v39 =	vor.u32 $0x34, v2;
	v6 =	vld.idx.msk [tilespmem:v33+s17+$0x0], $0xffff  }
0x15f: {  	v40 =	vld.idx.msk [tilespmem:v35+s16+$0x0], $0xffff;
	v3 =	vadd.f32 v4, v3;
	v4 =	vmul.f32 v5, v34  }
0x160: {  	v41 =	vor.u32 $0x35, v2;
	v5 =	vld.idx.msk [tilespmem:v35+s17+$0x0], $0xffff  }
0x161: {  	v42 =	vld.idx.msk [tilespmem:v37+s16+$0x0], $0xffff;
	v3 =	vadd.f32 v4, v3;
	v4 =	vmul.f32 v7, v36  }
0x162: {  	v43 =	vor.u32 $0x36, v2;
	v7 =	vld.idx.msk [tilespmem:v37+s17+$0x0], $0xffff  }
0x163: {  	v44 =	vld.idx.msk [tilespmem:v39+s16+$0x0], $0xffff;
	v3 =	vadd.f32 v4, v3;
	v4 =	vmul.f32 v6, v38  }
0x164: {  	v45 =	vor.u32 $0x37, v2;
	v6 =	vld.idx.msk [tilespmem:v39+s17+$0x0], $0xffff  }
0x165: {  	v46 =	vld.idx.msk [tilespmem:v41+s16+$0x0], $0xffff;
	v3 =	vadd.f32 v4, v3;
	v4 =	vmul.f32 v5, v40  }
0x166: {  	v47 =	vor.u32 $0x38, v2;
	v5 =	vld.idx.msk [tilespmem:v41+s17+$0x0], $0xffff  }
0x167: {  	v48 =	vld.idx.msk [tilespmem:v43+s16+$0x0], $0xffff;
	v3 =	vadd.f32 v4, v3;
	v4 =	vmul.f32 v7, v42  }
0x168: {  	v49 =	vor.u32 $0x39, v2;
	v7 =	vld.idx.msk [tilespmem:v43+s17+$0x0], $0xffff  }
0x169: {  	v50 =	vld.idx.msk [tilespmem:v45+s16+$0x0], $0xffff;
	v3 =	vadd.f32 v4, v3;
	v4 =	vmul.f32 v6, v44  }
0x16a: {  	v51 =	vor.u32 $0x3A, v2;
	v6 =	vld.idx.msk [tilespmem:v45+s17+$0x0], $0xffff  }
0x16b: {  	v52 =	vld.idx.msk [tilespmem:v47+s16+$0x0], $0xffff;
	v3 =	vadd.f32 v4, v3;
	v4 =	vmul.f32 v5, v46  }
0x16c: {  	v53 =	vor.u32 $0x3B, v2;
	v5 =	vld.idx.msk [tilespmem:v47+s17+$0x0], $0xffff  }
0x16d: {  	v54 =	vld.idx.msk [tilespmem:v49+s16+$0x0], $0xffff;
	v3 =	vadd.f32 v4, v3;
	v4 =	vmul.f32 v7, v48  }
0x16e: {  	v55 =	vor.u32 $0x3C, v2;
	v7 =	vld.idx.msk [tilespmem:v49+s17+$0x0], $0xffff  }
0x16f: {  	v56 =	vld.idx.msk [tilespmem:v51+s16+$0x0], $0xffff;
	v3 =	vadd.f32 v4, v3;
	v4 =	vmul.f32 v6, v50  }
0x170: {  	v57 =	vor.u32 $0x3D, v2;
	v6 =	vld.idx.msk [tilespmem:v51+s17+$0x0], $0xffff  }
0x171: {  	v58 =	vld.idx.msk [tilespmem:v53+s16+$0x0], $0xffff;
	v3 =	vadd.f32 v4, v3;
	v4 =	vmul.f32 v5, v52  }
0x172: {  	v59 =	vor.u32 $0x3E, v2;
	v5 =	vld.idx.msk [tilespmem:v53+s17+$0x0], $0xffff  }
0x173: {  	v60 =	vld.idx.msk [tilespmem:v55+s16+$0x0], $0xffff;
	v3 =	vadd.f32 v4, v3;
	v4 =	vmul.f32 v7, v54  }
0x174: {  	v2 =	vor.u32 $0x3F, v2;
	v7 =	vld.idx.msk [tilespmem:v55+s17+$0x0], $0xffff  }
0x175: {  	v61 =	vld.idx.msk [tilespmem:v57+s16+$0x0], $0xffff;
	v3 =	vadd.f32 v4, v3;
	v4 =	vmul.f32 v6, v56  }
0x176: {  	v6 =	vld.idx.msk [tilespmem:v57+s17+$0x0], $0xffff  }
0x177: {  	v62 =	vld.idx.msk [tilespmem:v59+s16+$0x0], $0xffff;
	v3 =	vadd.f32 v4, v3;
	v4 =	vmul.f32 v5, v58  }
0x178: {  	v5 =	vld.idx.msk [tilespmem:v59+s17+$0x0], $0xffff  }
0x179: {  	v63 =	vld.idx.msk [tilespmem:v2+s16+$0x0], $0xffff;
	v3 =	vadd.f32 v4, v3;
	v4 =	vmul.f32 v7, v60  }
0x17a: {  	v7 =	vld.idx.msk [tilespmem:v2+s17+$0x0], $0xffff  }
0x17b: {  	s26 =	simm.s32 $0x20;
	v2 =	vadd.f32 v4, v3;
	v3 =	vmul.f32 v6, v61  }
0x17c: {  	v4 =	vmov s26  }
0x17d: {  	v4 =	vshll.u32 v4, $0x6;
	v5 =	vmul.f32 v5, v62;
	v6 =	vadd.f32 v3, v2  }
0x17e: {  	v2 =	vor.u32 v0, v4  }
0x17f: {  	v3 =	vor.u32 $0x1, v2;
	v4 =	vadd.f32 v5, v6;
	v5 =	vmul.f32 v7, v63  }
0x180: {  	s28 =	simm.s32 $0x30;
	s26 =	simm.s32 $0x10810  }
.LBB2_2:
0x181: {  	p0 =	sne.s32 s28, $0x1F0;
	v4 =	vadd.f32 v5, v4  }
0x182: {  	s26 =	sadd.s32 $0x10, s26  }
0x183: {  	[tilespmem:s26+$0x0] =	vst v4  }
0x184: {  	v4 =	vld.idx.msk [tilespmem:v3+s16+$0x0], $0xffff  }
0x185: {  	v6 =	vor.u32 $0x2, v2;
	s22 =	sadd.s32 $0x10, s22;
	v5 =	vld.idx.msk [tilespmem:v2+s16+$0x0], $0xffff  }
0x186: {  	v7 =	vld [tilespmem:s22+$0x0]  }
0x187: {  	v9 =	vor.u32 $0x3, v2;
	s24 =	sadd.s32 $0x10, s24;
	v8 =	vld.idx.msk [tilespmem:v2+s17+$0x0], $0xffff  }
0x188: {  	v10 =	vld [tilespmem:s24+$0x0]  }
0x189: {  	v11 =	vor.u32 $0x4, v2;
	v3 =	vld.idx.msk [tilespmem:v3+s17+$0x0], $0xffff  }
0x18a: {  	v12 =	vld.idx.msk [tilespmem:v6+s16+$0x0], $0xffff  }
0x18b: {  	v13 =	vor.u32 $0x5, v2;
	v7 =	vadd.f32 v7, v1;
	v6 =	vld.idx.msk [tilespmem:v6+s17+$0x0], $0xffff  }
0x18c: {  	v14 =	vld.idx.msk [tilespmem:v9+s16+$0x0], $0xffff  }
0x18d: {  	v5 =	vmul.f32 v8, v5;
	v7 =	vadd.f32 v10, v7;
	v8 =	vld.idx.msk [tilespmem:v9+s17+$0x0], $0xffff;
	v9 =	vor.u32 $0x6, v2  }
0x18e: {  	v10 =	vld.idx.msk [tilespmem:v11+s16+$0x0], $0xffff  }
0x18f: {  	v3 =	vmul.f32 v3, v4;
	v5 =	vadd.f32 v5, v7;
	v4 =	vld.idx.msk [tilespmem:v11+s17+$0x0], $0xffff;
	v7 =	vor.u32 $0x7, v2  }
0x190: {  	v11 =	vld.idx.msk [tilespmem:v13+s16+$0x0], $0xffff  }
0x191: {  	v3 =	vadd.f32 v3, v5;
	v5 =	vmul.f32 v6, v12;
	v6 =	vld.idx.msk [tilespmem:v13+s17+$0x0], $0xffff;
	v12 =	vor.u32 $0x8, v2  }
0x192: {  	v13 =	vld.idx.msk [tilespmem:v9+s16+$0x0], $0xffff  }
0x193: {  	v3 =	vadd.f32 v5, v3;
	v5 =	vmul.f32 v8, v14;
	v8 =	vld.idx.msk [tilespmem:v9+s17+$0x0], $0xffff;
	v9 =	vor.u32 $0x9, v2  }
0x194: {  	v14 =	vld.idx.msk [tilespmem:v7+s16+$0x0], $0xffff  }
0x195: {  	v4 =	vmul.f32 v4, v10;
	v3 =	vadd.f32 v5, v3;
	v5 =	vld.idx.msk [tilespmem:v7+s17+$0x0], $0xffff;
	v7 =	vor.u32 $0xA, v2  }
0x196: {  	v10 =	vld.idx.msk [tilespmem:v12+s16+$0x0], $0xffff  }
0x197: {  	v3 =	vadd.f32 v4, v3;
	v4 =	vmul.f32 v6, v11;
	v6 =	vld.idx.msk [tilespmem:v12+s17+$0x0], $0xffff;
	v11 =	vor.u32 $0xB, v2  }
0x198: {  	v12 =	vld.idx.msk [tilespmem:v9+s16+$0x0], $0xffff  }
0x199: {  	v3 =	vadd.f32 v4, v3;
	v4 =	vmul.f32 v8, v13;
	v8 =	vld.idx.msk [tilespmem:v9+s17+$0x0], $0xffff;
	v9 =	vor.u32 $0xC, v2  }
0x19a: {  	v13 =	vld.idx.msk [tilespmem:v7+s16+$0x0], $0xffff  }
0x19b: {  	v3 =	vadd.f32 v4, v3;
	v4 =	vmul.f32 v5, v14;
	v5 =	vld.idx.msk [tilespmem:v7+s17+$0x0], $0xffff;
	v7 =	vor.u32 $0xD, v2  }
0x19c: {  	v14 =	vld.idx.msk [tilespmem:v11+s16+$0x0], $0xffff  }
0x19d: {  	v3 =	vadd.f32 v4, v3;
	v4 =	vmul.f32 v6, v10;
	v6 =	vld.idx.msk [tilespmem:v11+s17+$0x0], $0xffff;
	v10 =	vor.u32 $0xE, v2  }
0x19e: {  	v11 =	vld.idx.msk [tilespmem:v9+s16+$0x0], $0xffff  }
0x19f: {  	v3 =	vadd.f32 v4, v3;
	v4 =	vmul.f32 v8, v12;
	v8 =	vld.idx.msk [tilespmem:v9+s17+$0x0], $0xffff;
	v9 =	vor.u32 $0xF, v2  }
0x1a0: {  	v12 =	vld.idx.msk [tilespmem:v7+s16+$0x0], $0xffff  }
0x1a1: {  	v3 =	vadd.f32 v4, v3;
	v4 =	vmul.f32 v5, v13;
	v5 =	vld.idx.msk [tilespmem:v7+s17+$0x0], $0xffff;
	v7 =	vor.u32 $0x10, v2  }
0x1a2: {  	v13 =	vld.idx.msk [tilespmem:v10+s16+$0x0], $0xffff  }
0x1a3: {  	v3 =	vadd.f32 v4, v3;
	v4 =	vmul.f32 v6, v14;
	v6 =	vld.idx.msk [tilespmem:v10+s17+$0x0], $0xffff;
	v10 =	vor.u32 $0x11, v2  }
0x1a4: {  	v14 =	vld.idx.msk [tilespmem:v9+s16+$0x0], $0xffff  }
0x1a5: {  	v3 =	vadd.f32 v4, v3;
	v4 =	vmul.f32 v8, v11;
	v8 =	vld.idx.msk [tilespmem:v9+s17+$0x0], $0xffff;
	v9 =	vor.u32 $0x12, v2  }
0x1a6: {  	v11 =	vld.idx.msk [tilespmem:v7+s16+$0x0], $0xffff  }
0x1a7: {  	v3 =	vadd.f32 v4, v3;
	v4 =	vmul.f32 v5, v12;
	v5 =	vld.idx.msk [tilespmem:v7+s17+$0x0], $0xffff;
	v7 =	vor.u32 $0x13, v2  }
0x1a8: {  	v12 =	vld.idx.msk [tilespmem:v10+s16+$0x0], $0xffff  }
0x1a9: {  	v3 =	vadd.f32 v4, v3;
	v4 =	vmul.f32 v6, v13;
	v6 =	vld.idx.msk [tilespmem:v10+s17+$0x0], $0xffff;
	v10 =	vor.u32 $0x14, v2  }
0x1aa: {  	v13 =	vld.idx.msk [tilespmem:v9+s16+$0x0], $0xffff  }
0x1ab: {  	v3 =	vadd.f32 v4, v3;
	v4 =	vmul.f32 v8, v14;
	v8 =	vld.idx.msk [tilespmem:v9+s17+$0x0], $0xffff;
	v9 =	vor.u32 $0x15, v2  }
0x1ac: {  	v14 =	vld.idx.msk [tilespmem:v7+s16+$0x0], $0xffff  }
0x1ad: {  	v3 =	vadd.f32 v4, v3;
	v4 =	vmul.f32 v5, v11;
	v5 =	vld.idx.msk [tilespmem:v7+s17+$0x0], $0xffff;
	v7 =	vor.u32 $0x16, v2  }
0x1ae: {  	v11 =	vld.idx.msk [tilespmem:v10+s16+$0x0], $0xffff  }
0x1af: {  	v3 =	vadd.f32 v4, v3;
	v4 =	vmul.f32 v6, v12;
	v6 =	vld.idx.msk [tilespmem:v10+s17+$0x0], $0xffff;
	v10 =	vor.u32 $0x17, v2  }
0x1b0: {  	v12 =	vld.idx.msk [tilespmem:v9+s16+$0x0], $0xffff  }
0x1b1: {  	v3 =	vadd.f32 v4, v3;
	v4 =	vmul.f32 v8, v13;
	v8 =	vld.idx.msk [tilespmem:v9+s17+$0x0], $0xffff;
	v9 =	vor.u32 $0x18, v2  }
0x1b2: {  	v13 =	vld.idx.msk [tilespmem:v7+s16+$0x0], $0xffff  }
0x1b3: {  	v3 =	vadd.f32 v4, v3;
	v4 =	vmul.f32 v5, v14;
	v5 =	vld.idx.msk [tilespmem:v7+s17+$0x0], $0xffff;
	v7 =	vor.u32 $0x19, v2  }
0x1b4: {  	v14 =	vld.idx.msk [tilespmem:v10+s16+$0x0], $0xffff  }
0x1b5: {  	v3 =	vadd.f32 v4, v3;
	v4 =	vmul.f32 v6, v11;
	v6 =	vld.idx.msk [tilespmem:v10+s17+$0x0], $0xffff;
	v10 =	vor.u32 $0x1A, v2  }
0x1b6: {  	v11 =	vld.idx.msk [tilespmem:v9+s16+$0x0], $0xffff  }
0x1b7: {  	v3 =	vadd.f32 v4, v3;
	v4 =	vmul.f32 v8, v12;
	v8 =	vld.idx.msk [tilespmem:v9+s17+$0x0], $0xffff;
	v9 =	vor.u32 $0x1B, v2  }
0x1b8: {  	v12 =	vld.idx.msk [tilespmem:v7+s16+$0x0], $0xffff  }
0x1b9: {  	v3 =	vadd.f32 v4, v3;
	v4 =	vmul.f32 v5, v13;
	v5 =	vld.idx.msk [tilespmem:v7+s17+$0x0], $0xffff;
	v7 =	vor.u32 $0x1C, v2  }
0x1ba: {  	v13 =	vld.idx.msk [tilespmem:v10+s16+$0x0], $0xffff  }
0x1bb: {  	v3 =	vadd.f32 v4, v3;
	v4 =	vmul.f32 v6, v14;
	v6 =	vld.idx.msk [tilespmem:v10+s17+$0x0], $0xffff;
	v10 =	vor.u32 $0x1D, v2  }
0x1bc: {  	v14 =	vld.idx.msk [tilespmem:v9+s16+$0x0], $0xffff  }
0x1bd: {  	v3 =	vadd.f32 v4, v3;
	v4 =	vmul.f32 v8, v11;
	v8 =	vld.idx.msk [tilespmem:v9+s17+$0x0], $0xffff;
	v9 =	vor.u32 $0x1E, v2  }
0x1be: {  	v11 =	vld.idx.msk [tilespmem:v7+s16+$0x0], $0xffff  }
0x1bf: {  	v3 =	vadd.f32 v4, v3;
	v4 =	vmul.f32 v5, v12;
	v5 =	vld.idx.msk [tilespmem:v7+s17+$0x0], $0xffff;
	v7 =	vor.u32 $0x1F, v2  }
0x1c0: {  	v12 =	vld.idx.msk [tilespmem:v10+s16+$0x0], $0xffff  }
0x1c1: {  	v3 =	vadd.f32 v4, v3;
	v4 =	vmul.f32 v6, v13;
	v6 =	vld.idx.msk [tilespmem:v10+s17+$0x0], $0xffff;
	v10 =	vor.u32 $0x20, v2  }
0x1c2: {  	v13 =	vld.idx.msk [tilespmem:v9+s16+$0x0], $0xffff  }
0x1c3: {  	v3 =	vadd.f32 v4, v3;
	v4 =	vmul.f32 v8, v14;
	v8 =	vld.idx.msk [tilespmem:v9+s17+$0x0], $0xffff;
	v9 =	vor.u32 $0x21, v2  }
0x1c4: {  	v14 =	vld.idx.msk [tilespmem:v7+s16+$0x0], $0xffff  }
0x1c5: {  	v3 =	vadd.f32 v4, v3;
	v4 =	vmul.f32 v5, v11;
	v5 =	vld.idx.msk [tilespmem:v7+s17+$0x0], $0xffff;
	v7 =	vor.u32 $0x22, v2  }
0x1c6: {  	v11 =	vld.idx.msk [tilespmem:v10+s16+$0x0], $0xffff  }
0x1c7: {  	v3 =	vadd.f32 v4, v3;
	v4 =	vmul.f32 v6, v12;
	v6 =	vld.idx.msk [tilespmem:v10+s17+$0x0], $0xffff;
	v10 =	vor.u32 $0x23, v2  }
0x1c8: {  	v12 =	vld.idx.msk [tilespmem:v9+s16+$0x0], $0xffff  }
0x1c9: {  	v3 =	vadd.f32 v4, v3;
	v4 =	vmul.f32 v8, v13;
	v8 =	vld.idx.msk [tilespmem:v9+s17+$0x0], $0xffff;
	v9 =	vor.u32 $0x24, v2  }
0x1ca: {  	v13 =	vld.idx.msk [tilespmem:v7+s16+$0x0], $0xffff  }
0x1cb: {  	v3 =	vadd.f32 v4, v3;
	v4 =	vmul.f32 v5, v14;
	v5 =	vld.idx.msk [tilespmem:v7+s17+$0x0], $0xffff;
	v7 =	vor.u32 $0x25, v2  }
0x1cc: {  	v14 =	vld.idx.msk [tilespmem:v10+s16+$0x0], $0xffff  }
0x1cd: {  	v3 =	vadd.f32 v4, v3;
	v4 =	vmul.f32 v6, v11;
	v6 =	vld.idx.msk [tilespmem:v10+s17+$0x0], $0xffff;
	v10 =	vor.u32 $0x26, v2  }
0x1ce: {  	v11 =	vld.idx.msk [tilespmem:v9+s16+$0x0], $0xffff  }
0x1cf: {  	v3 =	vadd.f32 v4, v3;
	v4 =	vmul.f32 v8, v12;
	v8 =	vld.idx.msk [tilespmem:v9+s17+$0x0], $0xffff;
	v9 =	vor.u32 $0x27, v2  }
0x1d0: {  	v12 =	vld.idx.msk [tilespmem:v7+s16+$0x0], $0xffff  }
0x1d1: {  	v3 =	vadd.f32 v4, v3;
	v4 =	vmul.f32 v5, v13;
	v5 =	vld.idx.msk [tilespmem:v7+s17+$0x0], $0xffff;
	v7 =	vor.u32 $0x28, v2  }
0x1d2: {  	v13 =	vld.idx.msk [tilespmem:v10+s16+$0x0], $0xffff  }
0x1d3: {  	v3 =	vadd.f32 v4, v3;
	v4 =	vmul.f32 v6, v14;
	v6 =	vld.idx.msk [tilespmem:v10+s17+$0x0], $0xffff;
	v10 =	vor.u32 $0x29, v2  }
0x1d4: {  	v14 =	vld.idx.msk [tilespmem:v9+s16+$0x0], $0xffff  }
0x1d5: {  	v3 =	vadd.f32 v4, v3;
	v4 =	vmul.f32 v8, v11;
	v8 =	vld.idx.msk [tilespmem:v9+s17+$0x0], $0xffff;
	v9 =	vor.u32 $0x2A, v2  }
0x1d6: {  	v11 =	vld.idx.msk [tilespmem:v7+s16+$0x0], $0xffff  }
0x1d7: {  	v3 =	vadd.f32 v4, v3;
	v4 =	vmul.f32 v5, v12;
	v5 =	vld.idx.msk [tilespmem:v7+s17+$0x0], $0xffff;
	v7 =	vor.u32 $0x2B, v2  }
0x1d8: {  	v12 =	vld.idx.msk [tilespmem:v10+s16+$0x0], $0xffff  }
0x1d9: {  	v3 =	vadd.f32 v4, v3;
	v4 =	vmul.f32 v6, v13;
	v6 =	vld.idx.msk [tilespmem:v10+s17+$0x0], $0xffff;
	v10 =	vor.u32 $0x2C, v2  }
0x1da: {  	v13 =	vld.idx.msk [tilespmem:v9+s16+$0x0], $0xffff  }
0x1db: {  	v3 =	vadd.f32 v4, v3;
	v4 =	vmul.f32 v8, v14;
	v8 =	vld.idx.msk [tilespmem:v9+s17+$0x0], $0xffff;
	v9 =	vor.u32 $0x2D, v2  }
0x1dc: {  	v14 =	vld.idx.msk [tilespmem:v7+s16+$0x0], $0xffff  }
0x1dd: {  	v3 =	vadd.f32 v4, v3;
	v4 =	vmul.f32 v5, v11;
	v5 =	vld.idx.msk [tilespmem:v7+s17+$0x0], $0xffff;
	v7 =	vor.u32 $0x2E, v2  }
0x1de: {  	v11 =	vld.idx.msk [tilespmem:v10+s16+$0x0], $0xffff  }
0x1df: {  	v3 =	vadd.f32 v4, v3;
	v4 =	vmul.f32 v6, v12;
	v6 =	vld.idx.msk [tilespmem:v10+s17+$0x0], $0xffff;
	v10 =	vor.u32 $0x2F, v2  }
0x1e0: {  	v12 =	vld.idx.msk [tilespmem:v9+s16+$0x0], $0xffff  }
0x1e1: {  	v3 =	vadd.f32 v4, v3;
	v4 =	vmul.f32 v8, v13;
	v8 =	vld.idx.msk [tilespmem:v9+s17+$0x0], $0xffff;
	v9 =	vor.u32 $0x30, v2  }
0x1e2: {  	v13 =	vld.idx.msk [tilespmem:v7+s16+$0x0], $0xffff  }
0x1e3: {  	v3 =	vadd.f32 v4, v3;
	v4 =	vmul.f32 v5, v14;
	v5 =	vld.idx.msk [tilespmem:v7+s17+$0x0], $0xffff;
	v7 =	vor.u32 $0x31, v2  }
0x1e4: {  	v14 =	vld.idx.msk [tilespmem:v10+s16+$0x0], $0xffff  }
0x1e5: {  	v3 =	vadd.f32 v4, v3;
	v4 =	vmul.f32 v6, v11;
	v6 =	vld.idx.msk [tilespmem:v10+s17+$0x0], $0xffff;
	v10 =	vor.u32 $0x32, v2  }
0x1e6: {  	v11 =	vld.idx.msk [tilespmem:v9+s16+$0x0], $0xffff  }
0x1e7: {  	v3 =	vadd.f32 v4, v3;
	v4 =	vmul.f32 v8, v12;
	v8 =	vld.idx.msk [tilespmem:v9+s17+$0x0], $0xffff;
	v9 =	vor.u32 $0x33, v2  }
0x1e8: {  	v12 =	vld.idx.msk [tilespmem:v7+s16+$0x0], $0xffff  }
0x1e9: {  	v3 =	vadd.f32 v4, v3;
	v4 =	vmul.f32 v5, v13;
	v5 =	vld.idx.msk [tilespmem:v7+s17+$0x0], $0xffff;
	v7 =	vor.u32 $0x34, v2  }
0x1ea: {  	v13 =	vld.idx.msk [tilespmem:v10+s16+$0x0], $0xffff  }
0x1eb: {  	v3 =	vadd.f32 v4, v3;
	v4 =	vmul.f32 v6, v14;
	v6 =	vld.idx.msk [tilespmem:v10+s17+$0x0], $0xffff;
	v10 =	vor.u32 $0x35, v2  }
0x1ec: {  	v14 =	vld.idx.msk [tilespmem:v9+s16+$0x0], $0xffff  }
0x1ed: {  	v3 =	vadd.f32 v4, v3;
	v4 =	vmul.f32 v8, v11;
	v8 =	vld.idx.msk [tilespmem:v9+s17+$0x0], $0xffff;
	v9 =	vor.u32 $0x36, v2  }
0x1ee: {  	v11 =	vld.idx.msk [tilespmem:v7+s16+$0x0], $0xffff  }
0x1ef: {  	v3 =	vadd.f32 v4, v3;
	v4 =	vmul.f32 v5, v12;
	v5 =	vld.idx.msk [tilespmem:v7+s17+$0x0], $0xffff;
	v7 =	vor.u32 $0x37, v2  }
0x1f0: {  	v12 =	vld.idx.msk [tilespmem:v10+s16+$0x0], $0xffff  }
0x1f1: {  	v3 =	vadd.f32 v4, v3;
	v4 =	vmul.f32 v6, v13;
	v6 =	vld.idx.msk [tilespmem:v10+s17+$0x0], $0xffff;
	v10 =	vor.u32 $0x38, v2  }
0x1f2: {  	v13 =	vld.idx.msk [tilespmem:v9+s16+$0x0], $0xffff  }
0x1f3: {  	v3 =	vadd.f32 v4, v3;
	v4 =	vmul.f32 v8, v14;
	v8 =	vld.idx.msk [tilespmem:v9+s17+$0x0], $0xffff;
	v9 =	vor.u32 $0x39, v2  }
0x1f4: {  	v14 =	vld.idx.msk [tilespmem:v7+s16+$0x0], $0xffff  }
0x1f5: {  	v3 =	vadd.f32 v4, v3;
	v4 =	vmul.f32 v5, v11;
	v5 =	vld.idx.msk [tilespmem:v7+s17+$0x0], $0xffff;
	v7 =	vor.u32 $0x3A, v2  }
0x1f6: {  	v11 =	vld.idx.msk [tilespmem:v10+s16+$0x0], $0xffff  }
0x1f7: {  	v3 =	vadd.f32 v4, v3;
	v4 =	vmul.f32 v6, v12;
	v6 =	vld.idx.msk [tilespmem:v10+s17+$0x0], $0xffff;
	v10 =	vor.u32 $0x3B, v2  }
0x1f8: {  	v12 =	vld.idx.msk [tilespmem:v9+s16+$0x0], $0xffff  }
0x1f9: {  	v3 =	vadd.f32 v4, v3;
	v4 =	vmul.f32 v8, v13;
	v8 =	vld.idx.msk [tilespmem:v9+s17+$0x0], $0xffff;
	v9 =	vor.u32 $0x3C, v2  }
0x1fa: {  	v13 =	vld.idx.msk [tilespmem:v7+s16+$0x0], $0xffff  }
0x1fb: {  	v3 =	vadd.f32 v4, v3;
	v4 =	vmul.f32 v5, v14;
	v5 =	vld.idx.msk [tilespmem:v7+s17+$0x0], $0xffff;
	v7 =	vor.u32 $0x3D, v2  }
0x1fc: {  	v14 =	vld.idx.msk [tilespmem:v10+s16+$0x0], $0xffff  }
0x1fd: {  	v3 =	vadd.f32 v4, v3;
	v4 =	vmul.f32 v6, v11;
	v6 =	vld.idx.msk [tilespmem:v10+s17+$0x0], $0xffff;
	v10 =	vor.u32 $0x3E, v2  }
0x1fe: {  	v11 =	vld.idx.msk [tilespmem:v9+s16+$0x0], $0xffff  }
0x1ff: {  	v2 =	vor.u32 $0x3F, v2;
	v3 =	vadd.f32 v4, v3;
	v4 =	vmul.f32 v8, v12;
	v8 =	vld.idx.msk [tilespmem:v9+s17+$0x0], $0xffff  }
0x200: {  	v9 =	vld.idx.msk [tilespmem:v7+s16+$0x0], $0xffff  }
0x201: {  	v3 =	vadd.f32 v4, v3;
	v4 =	vmul.f32 v5, v13;
	v5 =	vld.idx.msk [tilespmem:v7+s17+$0x0], $0xffff  }
0x202: {  	v7 =	vld.idx.msk [tilespmem:v10+s16+$0x0], $0xffff  }
0x203: {  	v3 =	vadd.f32 v4, v3;
	v4 =	vmul.f32 v6, v14;
	v6 =	vld.idx.msk [tilespmem:v10+s17+$0x0], $0xffff  }
0x204: {  	v10 =	vld.idx.msk [tilespmem:v2+s16+$0x0], $0xffff  }
0x205: {  	v3 =	vadd.f32 v4, v3;
	v4 =	vmul.f32 v8, v11;
	v8 =	vld.idx.msk [tilespmem:v2+s17+$0x0], $0xffff;
	_ =	sdelay $0x1  }
0x206: {  	v2 =	vadd.f32 v4, v3;
	v3 =	vmul.f32 v5, v9  }
.Ltmp0:
0x207: {  	v4 =	vmov s28;
	(pc) =	sbr.rel @p0 .LBB2_2-.Ltmp0, $4  }
0x208: {  	v4 =	vshll.u32 v4, $0x6;
	v6 =	vmul.f32 v6, v7;
	v5 =	vadd.f32 v3, v2  }
0x209: {  	v2 =	vor.u32 v0, v4  }
0x20a: {  	v3 =	vor.u32 $0x1, v2;
	v4 =	vadd.f32 v6, v5;
	v5 =	vmul.f32 v8, v10  }
0x20b: {  	s28 =	sadd.s32 $0x10, s28  }
0x20c: {  	_ = 	snop  }
0x20d: {  	v4 =	vadd.f32 v5, v4  }
0x20e: {  	s26 =	sadd.s32 $0x10, s26  }
0x20f: {  	[tilespmem:s26+$0x0] =	vst v4  }
0x210: {  	s22 =	sadd.s32 $0x10, s22;
	v4 =	vld.idx.msk [tilespmem:v2+s16+$0x0], $0xffff  }
0x211: {  	v29 =	vor.u32 $0x2, v2;
	v6 =	vld [tilespmem:s22+$0x0]  }
0x212: {  	s24 =	sadd.s32 $0x10, s24;
	v7 =	vld.idx.msk [tilespmem:v2+s17+$0x0], $0xffff  }
0x213: {  	v8 =	vor.u32 $0x3, v2;
	v9 =	vld [tilespmem:s24+$0x0]  }
0x214: {  	v10 =	vld.idx.msk [tilespmem:v3+s16+$0x0], $0xffff  }
0x215: {  	v11 =	vor.u32 $0x4, v2;
	v3 =	vld.idx.msk [tilespmem:v3+s17+$0x0], $0xffff  }
0x216: {  	v12 =	vld.idx.msk [tilespmem:v29+s16+$0x0], $0xffff;
	v1 =	vadd.f32 v6, v1  }
0x217: {  	v30 =	vor.u32 $0x5, v2;
	v5 =	vld.idx.msk [tilespmem:v29+s17+$0x0], $0xffff  }
0x218: {  	v13 =	vld.idx.msk [tilespmem:v8+s16+$0x0], $0xffff;
	v4 =	vmul.f32 v7, v4;
	v1 =	vadd.f32 v9, v1  }
0x219: {  	v32 =	vor.u32 $0x6, v2;
	v31 =	vld.idx.msk [tilespmem:v8+s17+$0x0], $0xffff  }
0x21a: {  	v33 =	vld.idx.msk [tilespmem:v11+s16+$0x0], $0xffff;
	v3 =	vmul.f32 v3, v10;
	v1 =	vadd.f32 v4, v1  }
0x21b: {  	v35 =	vor.u32 $0x7, v2;
	v34 =	vld.idx.msk [tilespmem:v11+s17+$0x0], $0xffff  }
0x21c: {  	v36 =	vld.idx.msk [tilespmem:v30+s16+$0x0], $0xffff;
	v1 =	vadd.f32 v3, v1;
	v3 =	vmul.f32 v5, v12  }
0x21d: {  	v38 =	vor.u32 $0x8, v2;
	v37 =	vld.idx.msk [tilespmem:v30+s17+$0x0], $0xffff  }
0x21e: {  	v39 =	vld.idx.msk [tilespmem:v32+s16+$0x0], $0xffff;
	v1 =	vadd.f32 v3, v1;
	v3 =	vmul.f32 v31, v13  }
0x21f: {  	v41 =	vor.u32 $0x9, v2;
	v40 =	vld.idx.msk [tilespmem:v32+s17+$0x0], $0xffff  }
0x220: {  	v42 =	vld.idx.msk [tilespmem:v35+s16+$0x0], $0xffff;
	v1 =	vadd.f32 v3, v1;
	v3 =	vmul.f32 v34, v33  }
0x221: {  	v44 =	vor.u32 $0xA, v2;
	v43 =	vld.idx.msk [tilespmem:v35+s17+$0x0], $0xffff  }
0x222: {  	v45 =	vld.idx.msk [tilespmem:v38+s16+$0x0], $0xffff;
	v1 =	vadd.f32 v3, v1;
	v3 =	vmul.f32 v37, v36  }
0x223: {  	v47 =	vor.u32 $0xB, v2;
	v46 =	vld.idx.msk [tilespmem:v38+s17+$0x0], $0xffff  }
0x224: {  	v48 =	vld.idx.msk [tilespmem:v41+s16+$0x0], $0xffff;
	v1 =	vadd.f32 v3, v1;
	v3 =	vmul.f32 v40, v39  }
0x225: {  	v50 =	vor.u32 $0xC, v2;
	v49 =	vld.idx.msk [tilespmem:v41+s17+$0x0], $0xffff  }
0x226: {  	v51 =	vld.idx.msk [tilespmem:v44+s16+$0x0], $0xffff;
	v1 =	vadd.f32 v3, v1;
	v3 =	vmul.f32 v43, v42  }
0x227: {  	v53 =	vor.u32 $0xD, v2;
	v52 =	vld.idx.msk [tilespmem:v44+s17+$0x0], $0xffff  }
0x228: {  	v54 =	vld.idx.msk [tilespmem:v47+s16+$0x0], $0xffff;
	v1 =	vadd.f32 v3, v1;
	v3 =	vmul.f32 v46, v45  }
0x229: {  	v56 =	vor.u32 $0xE, v2;
	v55 =	vld.idx.msk [tilespmem:v47+s17+$0x0], $0xffff  }
0x22a: {  	v57 =	vld.idx.msk [tilespmem:v50+s16+$0x0], $0xffff;
	v1 =	vadd.f32 v3, v1;
	v3 =	vmul.f32 v49, v48  }
0x22b: {  	v59 =	vor.u32 $0xF, v2;
	v58 =	vld.idx.msk [tilespmem:v50+s17+$0x0], $0xffff  }
0x22c: {  	v60 =	vld.idx.msk [tilespmem:v53+s16+$0x0], $0xffff;
	v1 =	vadd.f32 v3, v1;
	v3 =	vmul.f32 v52, v51  }
0x22d: {  	v62 =	vor.u32 $0x10, v2;
	v61 =	vld.idx.msk [tilespmem:v53+s17+$0x0], $0xffff  }
0x22e: {  	v63 =	vld.idx.msk [tilespmem:v56+s16+$0x0], $0xffff;
	v1 =	vadd.f32 v3, v1;
	v3 =	vmul.f32 v55, v54  }
0x22f: {  	v17 =	vor.u32 $0x11, v2;
	v16 =	vld.idx.msk [tilespmem:v56+s17+$0x0], $0xffff  }
0x230: {  	v18 =	vld.idx.msk [tilespmem:v59+s16+$0x0], $0xffff;
	v1 =	vadd.f32 v3, v1;
	v3 =	vmul.f32 v58, v57  }
0x231: {  	v20 =	vor.u32 $0x12, v2;
	v19 =	vld.idx.msk [tilespmem:v59+s17+$0x0], $0xffff  }
0x232: {  	v21 =	vld.idx.msk [tilespmem:v62+s16+$0x0], $0xffff;
	v1 =	vadd.f32 v3, v1;
	v3 =	vmul.f32 v61, v60  }
0x233: {  	v23 =	vor.u32 $0x13, v2;
	v22 =	vld.idx.msk [tilespmem:v62+s17+$0x0], $0xffff  }
0x234: {  	v24 =	vld.idx.msk [tilespmem:v17+s16+$0x0], $0xffff;
	v1 =	vadd.f32 v3, v1;
	v3 =	vmul.f32 v16, v63  }
0x235: {  	v26 =	vor.u32 $0x14, v2;
	v25 =	vld.idx.msk [tilespmem:v17+s17+$0x0], $0xffff  }
0x236: {  	v27 =	vld.idx.msk [tilespmem:v20+s16+$0x0], $0xffff;
	v1 =	vadd.f32 v3, v1;
	v3 =	vmul.f32 v19, v18  }
0x237: {  	v28 =	vld.idx.msk [tilespmem:v20+s17+$0x0], $0xffff;
	v29 =	vor.u32 $0x15, v2  }
0x238: {  	v30 =	vld.idx.msk [tilespmem:v23+s16+$0x0], $0xffff;
	v1 =	vadd.f32 v3, v1;
	v3 =	vmul.f32 v22, v21  }
0x239: {  	v32 =	vor.u32 $0x16, v2;
	v31 =	vld.idx.msk [tilespmem:v23+s17+$0x0], $0xffff  }
0x23a: {  	v33 =	vld.idx.msk [tilespmem:v26+s16+$0x0], $0xffff;
	v1 =	vadd.f32 v3, v1;
	v3 =	vmul.f32 v25, v24  }
0x23b: {  	v35 =	vor.u32 $0x17, v2;
	v34 =	vld.idx.msk [tilespmem:v26+s17+$0x0], $0xffff  }
0x23c: {  	v36 =	vld.idx.msk [tilespmem:v29+s16+$0x0], $0xffff;
	v1 =	vadd.f32 v3, v1;
	v3 =	vmul.f32 v28, v27  }
0x23d: {  	v38 =	vor.u32 $0x18, v2;
	v37 =	vld.idx.msk [tilespmem:v29+s17+$0x0], $0xffff  }
0x23e: {  	v39 =	vld.idx.msk [tilespmem:v32+s16+$0x0], $0xffff;
	v1 =	vadd.f32 v3, v1;
	v3 =	vmul.f32 v31, v30  }
0x23f: {  	v41 =	vor.u32 $0x19, v2;
	v40 =	vld.idx.msk [tilespmem:v32+s17+$0x0], $0xffff  }
0x240: {  	v42 =	vld.idx.msk [tilespmem:v35+s16+$0x0], $0xffff;
	v1 =	vadd.f32 v3, v1;
	v3 =	vmul.f32 v34, v33  }
0x241: {  	v44 =	vor.u32 $0x1A, v2;
	v43 =	vld.idx.msk [tilespmem:v35+s17+$0x0], $0xffff  }
0x242: {  	v45 =	vld.idx.msk [tilespmem:v38+s16+$0x0], $0xffff;
	v1 =	vadd.f32 v3, v1;
	v3 =	vmul.f32 v37, v36  }
0x243: {  	v47 =	vor.u32 $0x1B, v2;
	v46 =	vld.idx.msk [tilespmem:v38+s17+$0x0], $0xffff  }
0x244: {  	v48 =	vld.idx.msk [tilespmem:v41+s16+$0x0], $0xffff;
	v1 =	vadd.f32 v3, v1;
	v3 =	vmul.f32 v40, v39  }
0x245: {  	v50 =	vor.u32 $0x1C, v2;
	v49 =	vld.idx.msk [tilespmem:v41+s17+$0x0], $0xffff  }
0x246: {  	v51 =	vld.idx.msk [tilespmem:v44+s16+$0x0], $0xffff;
	v1 =	vadd.f32 v3, v1;
	v3 =	vmul.f32 v43, v42  }
0x247: {  	v53 =	vor.u32 $0x1D, v2;
	v52 =	vld.idx.msk [tilespmem:v44+s17+$0x0], $0xffff  }
0x248: {  	v54 =	vld.idx.msk [tilespmem:v47+s16+$0x0], $0xffff;
	v1 =	vadd.f32 v3, v1;
	v3 =	vmul.f32 v46, v45  }
0x249: {  	v56 =	vor.u32 $0x1E, v2;
	v55 =	vld.idx.msk [tilespmem:v47+s17+$0x0], $0xffff  }
0x24a: {  	v57 =	vld.idx.msk [tilespmem:v50+s16+$0x0], $0xffff;
	v1 =	vadd.f32 v3, v1;
	v3 =	vmul.f32 v49, v48  }
0x24b: {  	v59 =	vor.u32 $0x1F, v2;
	v58 =	vld.idx.msk [tilespmem:v50+s17+$0x0], $0xffff  }
0x24c: {  	v60 =	vld.idx.msk [tilespmem:v53+s16+$0x0], $0xffff;
	v1 =	vadd.f32 v3, v1;
	v3 =	vmul.f32 v52, v51  }
0x24d: {  	v62 =	vor.u32 $0x20, v2;
	v61 =	vld.idx.msk [tilespmem:v53+s17+$0x0], $0xffff  }
0x24e: {  	v63 =	vld.idx.msk [tilespmem:v56+s16+$0x0], $0xffff;
	v1 =	vadd.f32 v3, v1;
	v3 =	vmul.f32 v55, v54  }
0x24f: {  	v17 =	vor.u32 $0x21, v2;
	v16 =	vld.idx.msk [tilespmem:v56+s17+$0x0], $0xffff  }
0x250: {  	v18 =	vld.idx.msk [tilespmem:v59+s16+$0x0], $0xffff;
	v1 =	vadd.f32 v3, v1;
	v3 =	vmul.f32 v58, v57  }
0x251: {  	v20 =	vor.u32 $0x22, v2;
	v19 =	vld.idx.msk [tilespmem:v59+s17+$0x0], $0xffff  }
0x252: {  	v21 =	vld.idx.msk [tilespmem:v62+s16+$0x0], $0xffff;
	v1 =	vadd.f32 v3, v1;
	v3 =	vmul.f32 v61, v60  }
0x253: {  	v23 =	vor.u32 $0x23, v2;
	v22 =	vld.idx.msk [tilespmem:v62+s17+$0x0], $0xffff  }
0x254: {  	v24 =	vld.idx.msk [tilespmem:v17+s16+$0x0], $0xffff;
	v1 =	vadd.f32 v3, v1;
	v3 =	vmul.f32 v16, v63  }
0x255: {  	v26 =	vor.u32 $0x24, v2;
	v25 =	vld.idx.msk [tilespmem:v17+s17+$0x0], $0xffff  }
0x256: {  	v27 =	vld.idx.msk [tilespmem:v20+s16+$0x0], $0xffff;
	v1 =	vadd.f32 v3, v1;
	v3 =	vmul.f32 v19, v18  }
0x257: {  	v29 =	vor.u32 $0x25, v2;
	v28 =	vld.idx.msk [tilespmem:v20+s17+$0x0], $0xffff  }
0x258: {  	v30 =	vld.idx.msk [tilespmem:v23+s16+$0x0], $0xffff;
	v1 =	vadd.f32 v3, v1;
	v3 =	vmul.f32 v22, v21  }
0x259: {  	v32 =	vor.u32 $0x26, v2;
	v31 =	vld.idx.msk [tilespmem:v23+s17+$0x0], $0xffff  }
0x25a: {  	v33 =	vld.idx.msk [tilespmem:v26+s16+$0x0], $0xffff;
	v1 =	vadd.f32 v3, v1;
	v3 =	vmul.f32 v25, v24  }
0x25b: {  	v35 =	vor.u32 $0x27, v2;
	v34 =	vld.idx.msk [tilespmem:v26+s17+$0x0], $0xffff  }
0x25c: {  	v36 =	vld.idx.msk [tilespmem:v29+s16+$0x0], $0xffff;
	v1 =	vadd.f32 v3, v1;
	v3 =	vmul.f32 v28, v27  }
0x25d: {  	v38 =	vor.u32 $0x28, v2;
	v37 =	vld.idx.msk [tilespmem:v29+s17+$0x0], $0xffff  }
0x25e: {  	v39 =	vld.idx.msk [tilespmem:v32+s16+$0x0], $0xffff;
	v1 =	vadd.f32 v3, v1;
	v3 =	vmul.f32 v31, v30  }
0x25f: {  	v41 =	vor.u32 $0x29, v2;
	v40 =	vld.idx.msk [tilespmem:v32+s17+$0x0], $0xffff  }
0x260: {  	v42 =	vld.idx.msk [tilespmem:v35+s16+$0x0], $0xffff;
	v1 =	vadd.f32 v3, v1;
	v3 =	vmul.f32 v34, v33  }
0x261: {  	v44 =	vor.u32 $0x2A, v2;
	v43 =	vld.idx.msk [tilespmem:v35+s17+$0x0], $0xffff  }
0x262: {  	v45 =	vld.idx.msk [tilespmem:v38+s16+$0x0], $0xffff;
	v1 =	vadd.f32 v3, v1;
	v3 =	vmul.f32 v37, v36  }
0x263: {  	v47 =	vor.u32 $0x2B, v2;
	v46 =	vld.idx.msk [tilespmem:v38+s17+$0x0], $0xffff  }
0x264: {  	v48 =	vld.idx.msk [tilespmem:v41+s16+$0x0], $0xffff;
	v1 =	vadd.f32 v3, v1;
	v3 =	vmul.f32 v40, v39  }
0x265: {  	v50 =	vor.u32 $0x2C, v2;
	v49 =	vld.idx.msk [tilespmem:v41+s17+$0x0], $0xffff  }
0x266: {  	v51 =	vld.idx.msk [tilespmem:v44+s16+$0x0], $0xffff;
	v1 =	vadd.f32 v3, v1;
	v3 =	vmul.f32 v43, v42  }
0x267: {  	v53 =	vor.u32 $0x2D, v2;
	v52 =	vld.idx.msk [tilespmem:v44+s17+$0x0], $0xffff  }
0x268: {  	v54 =	vld.idx.msk [tilespmem:v47+s16+$0x0], $0xffff;
	v1 =	vadd.f32 v3, v1;
	v3 =	vmul.f32 v46, v45  }
0x269: {  	v56 =	vor.u32 $0x2E, v2;
	v55 =	vld.idx.msk [tilespmem:v47+s17+$0x0], $0xffff  }
0x26a: {  	v57 =	vld.idx.msk [tilespmem:v50+s16+$0x0], $0xffff;
	v1 =	vadd.f32 v3, v1;
	v3 =	vmul.f32 v49, v48  }
0x26b: {  	v59 =	vor.u32 $0x2F, v2;
	v58 =	vld.idx.msk [tilespmem:v50+s17+$0x0], $0xffff  }
0x26c: {  	v60 =	vld.idx.msk [tilespmem:v53+s16+$0x0], $0xffff;
	v1 =	vadd.f32 v3, v1;
	v3 =	vmul.f32 v52, v51  }
0x26d: {  	v62 =	vor.u32 $0x30, v2;
	v61 =	vld.idx.msk [tilespmem:v53+s17+$0x0], $0xffff  }
0x26e: {  	v63 =	vld.idx.msk [tilespmem:v56+s16+$0x0], $0xffff;
	v1 =	vadd.f32 v3, v1;
	v3 =	vmul.f32 v55, v54  }
0x26f: {  	v17 =	vor.u32 $0x31, v2;
	v16 =	vld.idx.msk [tilespmem:v56+s17+$0x0], $0xffff  }
0x270: {  	v18 =	vld.idx.msk [tilespmem:v59+s16+$0x0], $0xffff;
	v1 =	vadd.f32 v3, v1;
	v3 =	vmul.f32 v58, v57  }
0x271: {  	v20 =	vor.u32 $0x32, v2;
	v19 =	vld.idx.msk [tilespmem:v59+s17+$0x0], $0xffff  }
0x272: {  	v21 =	vld.idx.msk [tilespmem:v62+s16+$0x0], $0xffff;
	v1 =	vadd.f32 v3, v1;
	v3 =	vmul.f32 v61, v60  }
0x273: {  	v23 =	vor.u32 $0x33, v2;
	v22 =	vld.idx.msk [tilespmem:v62+s17+$0x0], $0xffff  }
0x274: {  	v24 =	vld.idx.msk [tilespmem:v17+s16+$0x0], $0xffff;
	v1 =	vadd.f32 v3, v1;
	v3 =	vmul.f32 v16, v63  }
0x275: {  	v26 =	vor.u32 $0x34, v2;
	v25 =	vld.idx.msk [tilespmem:v17+s17+$0x0], $0xffff  }
0x276: {  	v27 =	vld.idx.msk [tilespmem:v20+s16+$0x0], $0xffff;
	v1 =	vadd.f32 v3, v1;
	v3 =	vmul.f32 v19, v18  }
0x277: {  	v29 =	vor.u32 $0x35, v2;
	v28 =	vld.idx.msk [tilespmem:v20+s17+$0x0], $0xffff  }
0x278: {  	v30 =	vld.idx.msk [tilespmem:v23+s16+$0x0], $0xffff;
	v1 =	vadd.f32 v3, v1;
	v3 =	vmul.f32 v22, v21  }
0x279: {  	v32 =	vor.u32 $0x36, v2;
	v31 =	vld.idx.msk [tilespmem:v23+s17+$0x0], $0xffff  }
0x27a: {  	v33 =	vld.idx.msk [tilespmem:v26+s16+$0x0], $0xffff;
	v1 =	vadd.f32 v3, v1;
	v3 =	vmul.f32 v25, v24  }
0x27b: {  	v35 =	vor.u32 $0x37, v2;
	v34 =	vld.idx.msk [tilespmem:v26+s17+$0x0], $0xffff  }
0x27c: {  	v36 =	vld.idx.msk [tilespmem:v29+s16+$0x0], $0xffff;
	v1 =	vadd.f32 v3, v1;
	v3 =	vmul.f32 v28, v27  }
0x27d: {  	v38 =	vor.u32 $0x38, v2;
	v37 =	vld.idx.msk [tilespmem:v29+s17+$0x0], $0xffff  }
0x27e: {  	v39 =	vld.idx.msk [tilespmem:v32+s16+$0x0], $0xffff;
	v1 =	vadd.f32 v3, v1;
	v3 =	vmul.f32 v31, v30  }
0x27f: {  	v41 =	vor.u32 $0x39, v2;
	v40 =	vld.idx.msk [tilespmem:v32+s17+$0x0], $0xffff  }
0x280: {  	v42 =	vld.idx.msk [tilespmem:v35+s16+$0x0], $0xffff;
	v1 =	vadd.f32 v3, v1;
	v3 =	vmul.f32 v34, v33  }
0x281: {  	v44 =	vor.u32 $0x3A, v2;
	v43 =	vld.idx.msk [tilespmem:v35+s17+$0x0], $0xffff  }
0x282: {  	v45 =	vld.idx.msk [tilespmem:v38+s16+$0x0], $0xffff;
	v1 =	vadd.f32 v3, v1;
	v3 =	vmul.f32 v37, v36  }
0x283: {  	v47 =	vor.u32 $0x3B, v2;
	v46 =	vld.idx.msk [tilespmem:v38+s17+$0x0], $0xffff  }
0x284: {  	v48 =	vld.idx.msk [tilespmem:v41+s16+$0x0], $0xffff;
	v1 =	vadd.f32 v3, v1;
	v3 =	vmul.f32 v40, v39  }
0x285: {  	v50 =	vor.u32 $0x3C, v2;
	v49 =	vld.idx.msk [tilespmem:v41+s17+$0x0], $0xffff  }
0x286: {  	v51 =	vld.idx.msk [tilespmem:v44+s16+$0x0], $0xffff;
	v1 =	vadd.f32 v3, v1;
	v3 =	vmul.f32 v43, v42  }
0x287: {  	v53 =	vor.u32 $0x3D, v2;
	v52 =	vld.idx.msk [tilespmem:v44+s17+$0x0], $0xffff  }
0x288: {  	v54 =	vld.idx.msk [tilespmem:v47+s16+$0x0], $0xffff;
	v1 =	vadd.f32 v3, v1;
	v3 =	vmul.f32 v46, v45  }
0x289: {  	v56 =	vor.u32 $0x3E, v2;
	v55 =	vld.idx.msk [tilespmem:v47+s17+$0x0], $0xffff  }
0x28a: {  	v57 =	vld.idx.msk [tilespmem:v50+s16+$0x0], $0xffff;
	v1 =	vadd.f32 v3, v1;
	v3 =	vmul.f32 v49, v48  }
0x28b: {  	v2 =	vor.u32 $0x3F, v2;
	v58 =	vld.idx.msk [tilespmem:v50+s17+$0x0], $0xffff  }
0x28c: {  	v59 =	vld.idx.msk [tilespmem:v53+s16+$0x0], $0xffff;
	v1 =	vadd.f32 v3, v1;
	v3 =	vmul.f32 v52, v51  }
0x28d: {  	v60 =	vld.idx.msk [tilespmem:v53+s17+$0x0], $0xffff  }
0x28e: {  	v62 =	vld.idx.msk [tilespmem:v56+s17+$0x0], $0xffff;
	v1 =	vadd.f32 v3, v1;
	v3 =	vmul.f32 v55, v54  }
0x28f: {  	v61 =	vld.idx.msk [tilespmem:v56+s16+$0x0], $0xffff  }
0x290: {  	v63 =	vld.idx.msk [tilespmem:v2+s16+$0x0], $0xffff;
	v1 =	vadd.f32 v3, v1;
	v3 =	vmul.f32 v58, v57  }
0x291: {  	v2 =	vld.idx.msk [tilespmem:v2+s17+$0x0], $0xffff  }
0x292: {  	v1 =	vadd.f32 v3, v1;
	v3 =	vmul.f32 v60, v59;
	_ =	sdelay $0x1  }
0x293: {  	v1 =	vadd.f32 v3, v1;
	v3 =	vmul.f32 v62, v61;
	_ =	sdelay $0x1  }
0x294: {  	v2 =	vmul.f32 v2, v63;
	v1 =	vadd.f32 v3, v1;
	_ =	sdelay $0x1  }
0x295: {  	s21 =	sadd.s32 $0x1, s21;
	v1 =	vadd.f32 v2, v1  }
0x296: {  	s28 =	sadd.s32 $0x10, s26;
	p0 =	sne.s32 s21, s11  }
.Ltmp1:
0x297: {  	[tilespmem:s28+$0x0] =	vst v1;
	(pc) =	sbr.rel @p0 .LBB2_1-.Ltmp1, $4  }
0x298: {  	[hbm4b:s10+s4] =	stream.linear.scatter [tilespmem:s20], [sflag:$0x2], $0x200, $0x38;
	[tilespmem:$0x10A10] =	vst v63  }
0x299: {  	_ =	swait.ge [sflag:s12], $0x200  }
0x29a: {  	[sflag:s12] =	ssyncset.done $0x0  }
0x29b: {  	[sflag:s12] =	ssyncadd.s32 $0xFFFFFE00  }
0x29c: {  	_ =	sfence.sel $0x180000  }
0x29d: {  	[bflag:$0x0] =	sbarrier.arrive $0xFFFF  }
0x29e: {  	_ =	strace $0x90000047  }
0x29f: {  	s0 =	stileid.u32;
	[bflag:$0x2] =	sbarrier.arrive $0xFFFF  }
0x2a0: {  	p0 =	sne.s32 s0, $0x0;
	s0 =	rddreg [dreg:$0x7]  }
0x2a1: {  	s0 =	sadd.s32 @!p0 $0x100000, s0  }
0x2a2: {  	[sflag:s0] =	ssyncadd.tile.s32 @!p0 $0x1;
	_ =	shalt  }
.Lfunc_end2:
_tile_overlayer_lowered:
.L_overlay_start_2:
0x2a3: {  	(tag) =	ssettag $0x2  }
0x2a4: {  	s0 =	rddreg [dreg:$0x0];
	s2 =	stileid.u32  }
0x2a5: {  	s1 =	rddreg [dreg:$0x1];
	p0 =	sne.s32 s2, $0x0  }
0x2a6: {  	s3 =	rddreg [dreg:$0x2];
	[bflag:$0x3] =	sbarrier.arrive $0xFFFF;
	s2 =	simm.s32 @!p0 $0x1C02  }
0x2a7: {  	[timem:s3], [sflag:s2] =	dma.local @!p0 [hbm:s0], s1  }
0x2a8: {  	s0 =	simm.s32 @!p0 $0x2  }
0x2a9: {  	_ =	swait.ge @!p0 [sflag:s0], s1  }
0x2aa: {  	s1 =	ssub.s32 @!p0 $0x0, s1;
	[sflag:s0] =	ssyncset.done @!p0 $0x0  }
0x2ab: {  	[sflag:s0] =	ssyncadd.s32 @!p0 s1  }
0x2ac: {  	[bflag:$0x3] =	sbarrier.arrive $0xFFFF  }
0x2ad: {  	_ =	shalt  }

</sc_bundles>
